<compile_context>
chip_gen: v7x
topology: tpu7x:2x2x1
jax: 0.10.2.dev20260603
libtpu: 0.0.44.dev20260713+nightly
codegen_flags: <defaults>
</compile_context>

<pallas_src>
import functools

import jax
import jax.numpy as jnp
from jax import lax
from jax.experimental import pallas as pl
from jax.experimental.pallas import tpu as pltpu
from jax.experimental.pallas import tpu_sc as plsc

_B = 10000
_W = 128


def _dotb(a, b, dims):
    return lax.dot_general(a.astype(jnp.bfloat16), b.astype(jnp.bfloat16),
                           (dims, ((), ())),
                           preferred_element_type=jnp.float32)


def _u1p_body(u_ref, w1u_ref, out_ref):
    out_ref[...] = _dotb(u_ref[...], w1u_ref[...], ((1,), (1,)))


def _sc_gather(table, idx, np_rows, d):
    info = plsc.get_sparse_core_info()
    nc, ns = info.num_cores, info.num_subcores
    nw = nc * ns
    b_per_w = np_rows // nw
    n_chunks = 8
    c = b_per_w // n_chunks
    mesh = plsc.VectorSubcoreMesh(core_axis_name="c", subcore_axis_name="s")

    @functools.partial(
        pl.kernel, mesh=mesh,
        out_type=jax.ShapeDtypeStruct((np_rows, d), jnp.float32),
        scratch_types=[
            pltpu.VMEM((c,), jnp.int32),
            pltpu.VMEM((c, d), jnp.float32),
            pltpu.SemaphoreType.DMA,
        ],
    )
    def k(table_hbm, idx_hbm, out_hbm, idx_v, rows_v, sem):
        wid = lax.axis_index("s") * nc + lax.axis_index("c")
        for j in range(n_chunks):
            base = wid * b_per_w + j * c
            pltpu.sync_copy(idx_hbm.at[pl.ds(base, c)], idx_v)
            pltpu.async_copy(table_hbm.at[idx_v], rows_v, sem).wait()
            pltpu.sync_copy(rows_v, out_hbm.at[pl.ds(base, c)])

    return k(table, idx)


def _body(lohi_ref, x_ref, batch_ref, ug_ref, u_ref, w1x_ref, b1_ref,
          w2_ref, b2_ref, w3_ref, b3_ref, g_ref, beta_ref,
          pa_ref, pu_ref, pb1_ref, pw2_ref, pb2_ref, pw3_ref, pb3_ref,
          pg_ref, pbeta_ref, out_ref, acc_ref, *, nb, G, DH):
    i = pl.program_id(0)

    @pl.when(i == 0)
    def _init():
        acc_ref[...] = jnp.zeros_like(acc_ref)

    ids = batch_ref[0]
    lo = lohi_ref[i, 0]
    hi = lohi_ref[i, 1]
    nwin = (hi - lo) // _W + 1
    iota_w = lax.broadcasted_iota(jnp.int32, (_W, 1), 0)

    h = _dotb(x_ref[...], w1x_ref[...], ((1,), (1,))) + ug_ref[...]
    h = jnp.maximum(h + b1_ref[...], 0.0)
    h = _dotb(h, w2_ref[...], ((1,), (1,)))
    h = jnp.maximum(h + b2_ref[...], 0.0)
    h = _dotb(h, w3_ref[...], ((1,), (1,))) + b3_ref[...]
    mu = jnp.mean(h, axis=-1, keepdims=True)
    var = jnp.mean(jnp.square(h - mu), axis=-1, keepdims=True)
    h = (h - mu) * lax.rsqrt(var + 1e-5) * g_ref[...] + beta_ref[...]

    @pl.when(nwin == 1)
    def _single_window():
        oh_t = (ids - lo == iota_w).astype(jnp.bfloat16)
        acc_ref[pl.ds(lo, _W), :] += _dotb(oh_t, h, ((1,), (0,)))

    @pl.when(nwin != 1)
    def _multi_window():
        def _scatter_step(w, carry):
            base = lo + w * _W
            oh_t = (ids - base == iota_w).astype(jnp.bfloat16)
            acc_ref[pl.ds(base, _W), :] += _dotb(oh_t, h, ((1,), (0,)))
            return carry

        lax.fori_loop(0, nwin, _scatter_step, 0)

    @pl.when(i == nb - 1)
    def _post():
        agg = acc_ref[pl.ds(0, G), :]
        uu = u_ref[...]
        q = _dotb(agg, pa_ref[...], ((1,), (1,)))
        q += _dotb(uu, pu_ref[...], ((1,), (1,)))
        q = jnp.maximum(q + pb1_ref[...], 0.0)
        q = _dotb(q, pw2_ref[...], ((1,), (1,)))
        q = jnp.maximum(q + pb2_ref[...], 0.0)
        q = _dotb(q, pw3_ref[...], ((1,), (1,))) + pb3_ref[...]
        mu2 = jnp.mean(q, axis=-1, keepdims=True)
        var2 = jnp.mean(jnp.square(q - mu2), axis=-1, keepdims=True)
        q = (q - mu2) * lax.rsqrt(var2 + 1e-5) * pg_ref[...] + pbeta_ref[...]
        out_ref[...] = q + uu


def kernel(x, u, batch, pre_W1, pre_b1, pre_W2, pre_b2, pre_W3, pre_b3,
           pre_g, pre_beta, post_W1, post_b1, post_W2, post_b2, post_W3,
           post_b3, post_g, post_beta):
    N, DL = x.shape
    G, DG = u.shape
    DH = pre_W2.shape[0]
    DP = pre_W3.shape[0]
    nb = N // _B

    batch = batch.astype(jnp.int32)
    b2d = batch.reshape(nb, _B)
    lohi = jnp.stack([b2d[:, 0], b2d[:, -1]], axis=1)
    batch3d = batch.reshape(nb, 1, _B)

    w1x = pre_W1[:, :DL]
    w1u = pre_W1[:, DL:]
    pa = post_W1[:, :DP]
    pu = post_W1[:, DP:]
    row = lambda v: v.reshape(1, -1)

    u1p = pl.pallas_call(
        _u1p_body,
        out_shape=jax.ShapeDtypeStruct((G, DH), jnp.float32),
    )(u, w1u)

    np_rows = 100352
    idx_pad = jnp.pad(batch, (0, np_rows - N))
    ug = _sc_gather(u1p, idx_pad, np_rows, DH)

    full = lambda s: pl.BlockSpec(s, lambda i, sref: tuple(0 for _ in s))
    grid_spec = pltpu.PrefetchScalarGridSpec(
        num_scalar_prefetch=1,
        grid=(nb,),
        in_specs=[
            pl.BlockSpec((_B, DL), lambda i, sref: (i, 0)),
            pl.BlockSpec((1, 1, _B), lambda i, sref: (i, 0, 0)),
            pl.BlockSpec((_B, DH), lambda i, sref: (i, 0)),
            full((G, DG)),
            full((DH, DL)), full((1, DH)),
            full((DH, DH)), full((1, DH)),
            full((DP, DH)), full((1, DP)),
            full((1, DP)), full((1, DP)),
            full((DH, DP)), full((DH, DG)), full((1, DH)),
            full((DH, DH)), full((1, DH)),
            full((DG, DH)), full((1, DG)),
            full((1, DG)), full((1, DG)),
        ],
        out_specs=pl.BlockSpec((G, DG), lambda i, sref: (0, 0)),
        scratch_shapes=[
            pltpu.VMEM((G + _W, DH), jnp.float32),
        ],
    )

    body = functools.partial(_body, nb=nb, G=G, DH=DH)
    return pl.pallas_call(
        body,
        grid_spec=grid_spec,
        out_shape=jax.ShapeDtypeStruct((G, DG), jnp.float32),
        compiler_params=pltpu.CompilerParams(
            dimension_semantics=("arbitrary",)),
    )(lohi, x, batch3d, ug, u,
      w1x, row(pre_b1), pre_W2, row(pre_b2), pre_W3, row(pre_b3),
      row(pre_g), row(pre_beta),
      pa, pu, row(post_b1), post_W2, row(post_b2), post_W3, row(post_b3),
      row(post_g), row(post_beta))

# --- scband reference (transcript-rebuilt; emitter-appended) ---
"""Pipeline reference for scband-global-model-15513421873649 (READ-ONLY COPY).

The authoritative reference and input builder live on the scoring server;
editing this copy changes nothing except your own understanding.
"""

import jax, jax.numpy as jnp
import numpy as np

N = 100000
G = 1024
DL = 128
DG = 128
DH = 128
DP = 128


def _linear(x, W, b):
    return x @ W.T + b


def _layernorm(x, g, b, eps=1e-5):
    mu = jnp.mean(x, axis=-1, keepdims=True)
    var = jnp.var(x, axis=-1, keepdims=True)
    return (x - mu) / jnp.sqrt(var + eps) * g + b


def _lin_params(k, fan_out, fan_in):
    k1, k2 = jax.random.split(k)
    bound = 1.0 / np.sqrt(fan_in)
    W = jax.random.uniform(k1, (fan_out, fan_in), jnp.float32, -bound, bound)
    b = jax.random.uniform(k2, (fan_out,), jnp.float32, -bound, bound)
    return W, b


def setup_inputs(seed: int = 0) -> dict:
    key = jax.random.key(seed)
    ks = jax.random.split(key, 12)
    inp = {}
    inp["x"] = jax.random.normal(ks[0], (N, DL), dtype=jnp.float32)
    inp["u"] = jax.random.normal(ks[1], (G, DG), dtype=jnp.float32)
    inp["batch"] = jnp.sort(jax.random.randint(ks[2], (N,), 0, G, dtype=jnp.int32))
    inp["pre_W1"], inp["pre_b1"] = _lin_params(ks[3], DH, DL + DG)
    inp["pre_W2"], inp["pre_b2"] = _lin_params(ks[4], DH, DH)
    inp["pre_W3"], inp["pre_b3"] = _lin_params(ks[5], DP, DH)
    inp["pre_g"] = jnp.ones((DP,), jnp.float32)
    inp["pre_beta"] = jnp.zeros((DP,), jnp.float32)
    inp["post_W1"], inp["post_b1"] = _lin_params(ks[6], DH, DP + DG)
    inp["post_W2"], inp["post_b2"] = _lin_params(ks[7], DH, DH)
    inp["post_W3"], inp["post_b3"] = _lin_params(ks[8], DG, DH)
    inp["post_g"] = jnp.ones((DG,), jnp.float32)
    inp["post_beta"] = jnp.zeros((DG,), jnp.float32)
    return inp


def reference(x, u, batch, pre_W1, pre_b1, pre_W2, pre_b2, pre_W3, pre_b3, pre_g, pre_beta, post_W1, post_b1, post_W2, post_b2, post_W3, post_b3, post_g, post_beta):
    # out = cat([x, u[batch]], -1); dropout p=0.0 -> identity
    out = jnp.concatenate([x, jnp.take(u, batch, axis=0)], axis=-1)
    h = jax.nn.relu(_linear(out, pre_W1, pre_b1))
    h = jax.nn.relu(_linear(h, pre_W2, pre_b2))
    h = _layernorm(_linear(h, pre_W3, pre_b3), pre_g, pre_beta)
    agg = jax.ops.segment_sum(h, batch, num_segments=u.shape[0])
    o = jnp.concatenate([agg, u], axis=-1)
    h2 = jax.nn.relu(_linear(o, post_W1, post_b1))
    h2 = jax.nn.relu(_linear(h2, post_W2, post_b2))
    h2 = _layernorm(_linear(h2, post_W3, post_b3), post_g, post_beta)
    return h2 + u

if __name__ == "__main__":
    import jax
    _d = setup_inputs()
    print(jax.jit(kernel)(*tuple(_d.values())))

</pallas_src>

<mosaic_0001>
#map = affine_map<(d0, d1) -> (0, 0)>
#map1 = affine_map<(d0, d1) -> (0)>
module attributes {stable_mosaic.version = 14 : i64} {
  func.func @k(%arg0: i32, %arg1: i32, %arg2: memref<1024x128xf32, #tpu.memory_space<hbm>>, %arg3: memref<100352xi32, #tpu.memory_space<hbm>>, %arg4: memref<100352x128xf32, #tpu.memory_space<hbm>>, %arg5: memref<392xi32, #tpu.memory_space<vmem>>, %arg6: memref<392x128xf32, #tpu.memory_space<vmem>>, %arg7: memref<!tpu.dma_semaphore, #tpu.memory_space<semaphore_mem>>) attributes {dimension_semantics = [#tpu.dimension_semantics<core_parallel>, #tpu.dimension_semantics<subcore_parallel>], iteration_bounds = array<i64: 2, 16>, scalar_prefetch = 0 : i64, scratch_operands = 3 : i64, tpu.core_type = #tpu.core_type<sc_vector_subcore>, window_params = [{transform_indices = #map}, {transform_indices = #map1}, {transform_indices = #map}]} {
    %mul3A = arith.constant 2 : i32
    %mul3A_0 = arith.muli %arg1, %mul3A : i32
    %add3A = arith.addi %mul3A_0, %arg0 : i32
    %mul3A_1 = arith.constant 3136 : i32
    %mul3A_2 = arith.muli %add3A, %mul3A_1 : i32
    %add3A_3 = arith.constant 0 : i32
    %add3A_4 = arith.addi %mul3A_2, %add3A_3 : i32
    "tpu.region"() ({
      %run_scoped3A = tpu.sem_alloc : memref<!tpu.dma_semaphore, #tpu.memory_space<semaphore_mem>>
      %dma_start3A_79 = tpu.memref_slice %arg3[%add3A_4] : memref<100352xi32, #tpu.memory_space<hbm>> -> memref<392xi32, #tpu.memory_space<hbm>>
      %dma_start3A_80 = tpu.memref_slice %arg3[%add3A_4] : memref<100352xi32, #tpu.memory_space<hbm>> -> memref<392xi32, #tpu.memory_space<hbm>>
      tpu.enqueue_dma source(%dma_start3A_80 : memref<392xi32, #tpu.memory_space<hbm>>) target(%arg5 : memref<392xi32, #tpu.memory_space<vmem>>) target_semaphore(%run_scoped3A : memref<!tpu.dma_semaphore, #tpu.memory_space<semaphore_mem>>)
      %dma_wait3A_81 = tpu.memref_slice %arg3[%add3A_4] : memref<100352xi32, #tpu.memory_space<hbm>> -> memref<392xi32, #tpu.memory_space<hbm>>
      %dma_wait3A_82 = tpu.memref_slice %arg3[%add3A_4] : memref<100352xi32, #tpu.memory_space<hbm>> -> memref<392xi32, #tpu.memory_space<hbm>>
      tpu.wait_dma2 semaphore(%run_scoped3A : memref<!tpu.dma_semaphore, #tpu.memory_space<semaphore_mem>>) src(%dma_wait3A_82 : memref<392xi32, #tpu.memory_space<hbm>>) dst(%arg5 : memref<392xi32, #tpu.memory_space<vmem>>)
      tpu.yield
    }) : () -> ()
    %dma_start3A = arith.constant 0 : i32
    %dma_start3A_5 = arith.constant 0 : i32
    %dma_start3A_6 = tpu.memref_slice %arg2[%dma_start3A, %dma_start3A_5] : memref<1024x128xf32, #tpu.memory_space<hbm>> -> memref<1024x128xf32, #tpu.memory_space<hbm>>
    tpu.enqueue_indirect_dma source(%dma_start3A_6 : memref<1024x128xf32, #tpu.memory_space<hbm>>) target(%arg6 : memref<392x128xf32, #tpu.memory_space<vmem>>) offsets(%arg5 : memref<392xi32, #tpu.memory_space<vmem>>) semaphore(%arg7 : memref<!tpu.dma_semaphore, #tpu.memory_space<semaphore_mem>>)
    %dma_wait3A = arith.constant 0 : i32
    %dma_wait3A_7 = arith.constant 0 : i32
    %dma_wait3A_8 = tpu.memref_slice %arg2[%dma_wait3A, %dma_wait3A_7] : memref<1024x128xf32, #tpu.memory_space<hbm>> -> memref<1024x128xf32, #tpu.memory_space<hbm>>
    tpu.wait_indirect_dma semaphore(%arg7 : memref<!tpu.dma_semaphore, #tpu.memory_space<semaphore_mem>>) src(%dma_wait3A_8 : memref<1024x128xf32, #tpu.memory_space<hbm>>) dst(%arg6 : memref<392x128xf32, #tpu.memory_space<vmem>>)
    "tpu.region"() ({
      %run_scoped3A = tpu.sem_alloc : memref<!tpu.dma_semaphore, #tpu.memory_space<semaphore_mem>>
      %dma_start3A_79 = arith.constant 0 : i32
      %dma_start3A_80 = tpu.memref_slice %arg4[%add3A_4, %dma_start3A_79] : memref<100352x128xf32, #tpu.memory_space<hbm>> -> memref<392x128xf32, #tpu.memory_space<hbm>>
      %dma_start3A_81 = arith.constant 0 : i32
      %dma_start3A_82 = tpu.memref_slice %arg4[%add3A_4, %dma_start3A_81] : memref<100352x128xf32, #tpu.memory_space<hbm>> -> memref<392x128xf32, #tpu.memory_space<hbm>>
      tpu.enqueue_dma source(%arg6 : memref<392x128xf32, #tpu.memory_space<vmem>>) target(%dma_start3A_82 : memref<392x128xf32, #tpu.memory_space<hbm>>) target_semaphore(%run_scoped3A : memref<!tpu.dma_semaphore, #tpu.memory_space<semaphore_mem>>)
      %dma_wait3A_83 = arith.constant 0 : i32
      %dma_wait3A_84 = tpu.memref_slice %arg4[%add3A_4, %dma_wait3A_83] : memref<100352x128xf32, #tpu.memory_space<hbm>> -> memref<392x128xf32, #tpu.memory_space<hbm>>
      %dma_wait3A_85 = arith.constant 0 : i32
      %dma_wait3A_86 = tpu.memref_slice %arg4[%add3A_4, %dma_wait3A_85] : memref<100352x128xf32, #tpu.memory_space<hbm>> -> memref<392x128xf32, #tpu.memory_space<hbm>>
      tpu.wait_dma2 semaphore(%run_scoped3A : memref<!tpu.dma_semaphore, #tpu.memory_space<semaphore_mem>>) src(%arg6 : memref<392x128xf32, #tpu.memory_space<vmem>>) dst(%dma_wait3A_86 : memref<392x128xf32, #tpu.memory_space<hbm>>)
      tpu.yield
    }) : () -> ()
    %mul3A_9 = arith.constant 3136 : i32
    %mul3A_10 = arith.muli %add3A, %mul3A_9 : i32
    %add3A_11 = arith.constant 392 : i32
    %add3A_12 = arith.addi %mul3A_10, %add3A_11 : i32
    "tpu.region"() ({
      %run_scoped3A = tpu.sem_alloc : memref<!tpu.dma_semaphore, #tpu.memory_space<semaphore_mem>>
      %dma_start3A_79 = tpu.memref_slice %arg3[%add3A_12] : memref<100352xi32, #tpu.memory_space<hbm>> -> memref<392xi32, #tpu.memory_space<hbm>>
      %dma_start3A_80 = tpu.memref_slice %arg3[%add3A_12] : memref<100352xi32, #tpu.memory_space<hbm>> -> memref<392xi32, #tpu.memory_space<hbm>>
      tpu.enqueue_dma source(%dma_start3A_80 : memref<392xi32, #tpu.memory_space<hbm>>) target(%arg5 : memref<392xi32, #tpu.memory_space<vmem>>) target_semaphore(%run_scoped3A : memref<!tpu.dma_semaphore, #tpu.memory_space<semaphore_mem>>)
      %dma_wait3A_81 = tpu.memref_slice %arg3[%add3A_12] : memref<100352xi32, #tpu.memory_space<hbm>> -> memref<392xi32, #tpu.memory_space<hbm>>
      %dma_wait3A_82 = tpu.memref_slice %arg3[%add3A_12] : memref<100352xi32, #tpu.memory_space<hbm>> -> memref<392xi32, #tpu.memory_space<hbm>>
      tpu.wait_dma2 semaphore(%run_scoped3A : memref<!tpu.dma_semaphore, #tpu.memory_space<semaphore_mem>>) src(%dma_wait3A_82 : memref<392xi32, #tpu.memory_space<hbm>>) dst(%arg5 : memref<392xi32, #tpu.memory_space<vmem>>)
      tpu.yield
    }) : () -> ()
    %dma_start3A_13 = arith.constant 0 : i32
    %dma_start3A_14 = arith.constant 0 : i32
    %dma_start3A_15 = tpu.memref_slice %arg2[%dma_start3A_13, %dma_start3A_14] : memref<1024x128xf32, #tpu.memory_space<hbm>> -> memref<1024x128xf32, #tpu.memory_space<hbm>>
    tpu.enqueue_indirect_dma source(%dma_start3A_15 : memref<1024x128xf32, #tpu.memory_space<hbm>>) target(%arg6 : memref<392x128xf32, #tpu.memory_space<vmem>>) offsets(%arg5 : memref<392xi32, #tpu.memory_space<vmem>>) semaphore(%arg7 : memref<!tpu.dma_semaphore, #tpu.memory_space<semaphore_mem>>)
    %dma_wait3A_16 = arith.constant 0 : i32
    %dma_wait3A_17 = arith.constant 0 : i32
    %dma_wait3A_18 = tpu.memref_slice %arg2[%dma_wait3A_16, %dma_wait3A_17] : memref<1024x128xf32, #tpu.memory_space<hbm>> -> memref<1024x128xf32, #tpu.memory_space<hbm>>
    tpu.wait_indirect_dma semaphore(%arg7 : memref<!tpu.dma_semaphore, #tpu.memory_space<semaphore_mem>>) src(%dma_wait3A_18 : memref<1024x128xf32, #tpu.memory_space<hbm>>) dst(%arg6 : memref<392x128xf32, #tpu.memory_space<vmem>>)
    "tpu.region"() ({
      %run_scoped3A = tpu.sem_alloc : memref<!tpu.dma_semaphore, #tpu.memory_space<semaphore_mem>>
      %dma_start3A_79 = arith.constant 0 : i32
      %dma_start3A_80 = tpu.memref_slice %arg4[%add3A_12, %dma_start3A_79] : memref<100352x128xf32, #tpu.memory_space<hbm>> -> memref<392x128xf32, #tpu.memory_space<hbm>>
      %dma_start3A_81 = arith.constant 0 : i32
      %dma_start3A_82 = tpu.memref_slice %arg4[%add3A_12, %dma_start3A_81] : memref<100352x128xf32, #tpu.memory_space<hbm>> -> memref<392x128xf32, #tpu.memory_space<hbm>>
      tpu.enqueue_dma source(%arg6 : memref<392x128xf32, #tpu.memory_space<vmem>>) target(%dma_start3A_82 : memref<392x128xf32, #tpu.memory_space<hbm>>) target_semaphore(%run_scoped3A : memref<!tpu.dma_semaphore, #tpu.memory_space<semaphore_mem>>)
      %dma_wait3A_83 = arith.constant 0 : i32
      %dma_wait3A_84 = tpu.memref_slice %arg4[%add3A_12, %dma_wait3A_83] : memref<100352x128xf32, #tpu.memory_space<hbm>> -> memref<392x128xf32, #tpu.memory_space<hbm>>
      %dma_wait3A_85 = arith.constant 0 : i32
      %dma_wait3A_86 = tpu.memref_slice %arg4[%add3A_12, %dma_wait3A_85] : memref<100352x128xf32, #tpu.memory_space<hbm>> -> memref<392x128xf32, #tpu.memory_space<hbm>>
      tpu.wait_dma2 semaphore(%run_scoped3A : memref<!tpu.dma_semaphore, #tpu.memory_space<semaphore_mem>>) src(%arg6 : memref<392x128xf32, #tpu.memory_space<vmem>>) dst(%dma_wait3A_86 : memref<392x128xf32, #tpu.memory_space<hbm>>)
      tpu.yield
    }) : () -> ()
    %mul3A_19 = arith.constant 3136 : i32
    %mul3A_20 = arith.muli %add3A, %mul3A_19 : i32
    %add3A_21 = arith.constant 784 : i32
    %add3A_22 = arith.addi %mul3A_20, %add3A_21 : i32
    "tpu.region"() ({
      %run_scoped3A = tpu.sem_alloc : memref<!tpu.dma_semaphore, #tpu.memory_space<semaphore_mem>>
      %dma_start3A_79 = tpu.memref_slice %arg3[%add3A_22] : memref<100352xi32, #tpu.memory_space<hbm>> -> memref<392xi32, #tpu.memory_space<hbm>>
      %dma_start3A_80 = tpu.memref_slice %arg3[%add3A_22] : memref<100352xi32, #tpu.memory_space<hbm>> -> memref<392xi32, #tpu.memory_space<hbm>>
      tpu.enqueue_dma source(%dma_start3A_80 : memref<392xi32, #tpu.memory_space<hbm>>) target(%arg5 : memref<392xi32, #tpu.memory_space<vmem>>) target_semaphore(%run_scoped3A : memref<!tpu.dma_semaphore, #tpu.memory_space<semaphore_mem>>)
      %dma_wait3A_81 = tpu.memref_slice %arg3[%add3A_22] : memref<100352xi32, #tpu.memory_space<hbm>> -> memref<392xi32, #tpu.memory_space<hbm>>
      %dma_wait3A_82 = tpu.memref_slice %arg3[%add3A_22] : memref<100352xi32, #tpu.memory_space<hbm>> -> memref<392xi32, #tpu.memory_space<hbm>>
      tpu.wait_dma2 semaphore(%run_scoped3A : memref<!tpu.dma_semaphore, #tpu.memory_space<semaphore_mem>>) src(%dma_wait3A_82 : memref<392xi32, #tpu.memory_space<hbm>>) dst(%arg5 : memref<392xi32, #tpu.memory_space<vmem>>)
      tpu.yield
    }) : () -> ()
    %dma_start3A_23 = arith.constant 0 : i32
    %dma_start3A_24 = arith.constant 0 : i32
    %dma_start3A_25 = tpu.memref_slice %arg2[%dma_start3A_23, %dma_start3A_24] : memref<1024x128xf32, #tpu.memory_space<hbm>> -> memref<1024x128xf32, #tpu.memory_space<hbm>>
    tpu.enqueue_indirect_dma source(%dma_start3A_25 : memref<1024x128xf32, #tpu.memory_space<hbm>>) target(%arg6 : memref<392x128xf32, #tpu.memory_space<vmem>>) offsets(%arg5 : memref<392xi32, #tpu.memory_space<vmem>>) semaphore(%arg7 : memref<!tpu.dma_semaphore, #tpu.memory_space<semaphore_mem>>)
    %dma_wait3A_26 = arith.constant 0 : i32
    %dma_wait3A_27 = arith.constant 0 : i32
    %dma_wait3A_28 = tpu.memref_slice %arg2[%dma_wait3A_26, %dma_wait3A_27] : memref<1024x128xf32, #tpu.memory_space<hbm>> -> memref<1024x128xf32, #tpu.memory_space<hbm>>
    tpu.wait_indirect_dma semaphore(%arg7 : memref<!tpu.dma_semaphore, #tpu.memory_space<semaphore_mem>>) src(%dma_wait3A_28 : memref<1024x128xf32, #tpu.memory_space<hbm>>) dst(%arg6 : memref<392x128xf32, #tpu.memory_space<vmem>>)
    "tpu.region"() ({
      %run_scoped3A = tpu.sem_alloc : memref<!tpu.dma_semaphore, #tpu.memory_space<semaphore_mem>>
      %dma_start3A_79 = arith.constant 0 : i32
      %dma_start3A_80 = tpu.memref_slice %arg4[%add3A_22, %dma_start3A_79] : memref<100352x128xf32, #tpu.memory_space<hbm>> -> memref<392x128xf32, #tpu.memory_space<hbm>>
      %dma_start3A_81 = arith.constant 0 : i32
      %dma_start3A_82 = tpu.memref_slice %arg4[%add3A_22, %dma_start3A_81] : memref<100352x128xf32, #tpu.memory_space<hbm>> -> memref<392x128xf32, #tpu.memory_space<hbm>>
      tpu.enqueue_dma source(%arg6 : memref<392x128xf32, #tpu.memory_space<vmem>>) target(%dma_start3A_82 : memref<392x128xf32, #tpu.memory_space<hbm>>) target_semaphore(%run_scoped3A : memref<!tpu.dma_semaphore, #tpu.memory_space<semaphore_mem>>)
      %dma_wait3A_83 = arith.constant 0 : i32
      %dma_wait3A_84 = tpu.memref_slice %arg4[%add3A_22, %dma_wait3A_83] : memref<100352x128xf32, #tpu.memory_space<hbm>> -> memref<392x128xf32, #tpu.memory_space<hbm>>
      %dma_wait3A_85 = arith.constant 0 : i32
      %dma_wait3A_86 = tpu.memref_slice %arg4[%add3A_22, %dma_wait3A_85] : memref<100352x128xf32, #tpu.memory_space<hbm>> -> memref<392x128xf32, #tpu.memory_space<hbm>>
      tpu.wait_dma2 semaphore(%run_scoped3A : memref<!tpu.dma_semaphore, #tpu.memory_space<semaphore_mem>>) src(%arg6 : memref<392x128xf32, #tpu.memory_space<vmem>>) dst(%dma_wait3A_86 : memref<392x128xf32, #tpu.memory_space<hbm>>)
      tpu.yield
    }) : () -> ()
    %mul3A_29 = arith.constant 3136 : i32
    %mul3A_30 = arith.muli %add3A, %mul3A_29 : i32
    %add3A_31 = arith.constant 1176 : i32
    %add3A_32 = arith.addi %mul3A_30, %add3A_31 : i32
    "tpu.region"() ({
      %run_scoped3A = tpu.sem_alloc : memref<!tpu.dma_semaphore, #tpu.memory_space<semaphore_mem>>
      %dma_start3A_79 = tpu.memref_slice %arg3[%add3A_32] : memref<100352xi32, #tpu.memory_space<hbm>> -> memref<392xi32, #tpu.memory_space<hbm>>
      %dma_start3A_80 = tpu.memref_slice %arg3[%add3A_32] : memref<100352xi32, #tpu.memory_space<hbm>> -> memref<392xi32, #tpu.memory_space<hbm>>
      tpu.enqueue_dma source(%dma_start3A_80 : memref<392xi32, #tpu.memory_space<hbm>>) target(%arg5 : memref<392xi32, #tpu.memory_space<vmem>>) target_semaphore(%run_scoped3A : memref<!tpu.dma_semaphore, #tpu.memory_space<semaphore_mem>>)
      %dma_wait3A_81 = tpu.memref_slice %arg3[%add3A_32] : memref<100352xi32, #tpu.memory_space<hbm>> -> memref<392xi32, #tpu.memory_space<hbm>>
      %dma_wait3A_82 = tpu.memref_slice %arg3[%add3A_32] : memref<100352xi32, #tpu.memory_space<hbm>> -> memref<392xi32, #tpu.memory_space<hbm>>
      tpu.wait_dma2 semaphore(%run_scoped3A : memref<!tpu.dma_semaphore, #tpu.memory_space<semaphore_mem>>) src(%dma_wait3A_82 : memref<392xi32, #tpu.memory_space<hbm>>) dst(%arg5 : memref<392xi32, #tpu.memory_space<vmem>>)
      tpu.yield
    }) : () -> ()
    %dma_start3A_33 = arith.constant 0 : i32
    %dma_start3A_34 = arith.constant 0 : i32
    %dma_start3A_35 = tpu.memref_slice %arg2[%dma_start3A_33, %dma_start3A_34] : memref<1024x128xf32, #tpu.memory_space<hbm>> -> memref<1024x128xf32, #tpu.memory_space<hbm>>
    tpu.enqueue_indirect_dma source(%dma_start3A_35 : memref<1024x128xf32, #tpu.memory_space<hbm>>) target(%arg6 : memref<392x128xf32, #tpu.memory_space<vmem>>) offsets(%arg5 : memref<392xi32, #tpu.memory_space<vmem>>) semaphore(%arg7 : memref<!tpu.dma_semaphore, #tpu.memory_space<semaphore_mem>>)
    %dma_wait3A_36 = arith.constant 0 : i32
    %dma_wait3A_37 = arith.constant 0 : i32
    %dma_wait3A_38 = tpu.memref_slice %arg2[%dma_wait3A_36, %dma_wait3A_37] : memref<1024x128xf32, #tpu.memory_space<hbm>> -> memref<1024x128xf32, #tpu.memory_space<hbm>>
    tpu.wait_indirect_dma semaphore(%arg7 : memref<!tpu.dma_semaphore, #tpu.memory_space<semaphore_mem>>) src(%dma_wait3A_38 : memref<1024x128xf32, #tpu.memory_space<hbm>>) dst(%arg6 : memref<392x128xf32, #tpu.memory_space<vmem>>)
    "tpu.region"() ({
      %run_scoped3A = tpu.sem_alloc : memref<!tpu.dma_semaphore, #tpu.memory_space<semaphore_mem>>
      %dma_start3A_79 = arith.constant 0 : i32
      %dma_start3A_80 = tpu.memref_slice %arg4[%add3A_32, %dma_start3A_79] : memref<100352x128xf32, #tpu.memory_space<hbm>> -> memref<392x128xf32, #tpu.memory_space<hbm>>
      %dma_start3A_81 = arith.constant 0 : i32
      %dma_start3A_82 = tpu.memref_slice %arg4[%add3A_32, %dma_start3A_81] : memref<100352x128xf32, #tpu.memory_space<hbm>> -> memref<392x128xf32, #tpu.memory_space<hbm>>
      tpu.enqueue_dma source(%arg6 : memref<392x128xf32, #tpu.memory_space<vmem>>) target(%dma_start3A_82 : memref<392x128xf32, #tpu.memory_space<hbm>>) target_semaphore(%run_scoped3A : memref<!tpu.dma_semaphore, #tpu.memory_space<semaphore_mem>>)
      %dma_wait3A_83 = arith.constant 0 : i32
      %dma_wait3A_84 = tpu.memref_slice %arg4[%add3A_32, %dma_wait3A_83] : memref<100352x128xf32, #tpu.memory_space<hbm>> -> memref<392x128xf32, #tpu.memory_space<hbm>>
      %dma_wait3A_85 = arith.constant 0 : i32
      %dma_wait3A_86 = tpu.memref_slice %arg4[%add3A_32, %dma_wait3A_85] : memref<100352x128xf32, #tpu.memory_space<hbm>> -> memref<392x128xf32, #tpu.memory_space<hbm>>
      tpu.wait_dma2 semaphore(%run_scoped3A : memref<!tpu.dma_semaphore, #tpu.memory_space<semaphore_mem>>) src(%arg6 : memref<392x128xf32, #tpu.memory_space<vmem>>) dst(%dma_wait3A_86 : memref<392x128xf32, #tpu.memory_space<hbm>>)
      tpu.yield
    }) : () -> ()
    %mul3A_39 = arith.constant 3136 : i32
    %mul3A_40 = arith.muli %add3A, %mul3A_39 : i32
    %add3A_41 = arith.constant 1568 : i32
    %add3A_42 = arith.addi %mul3A_40, %add3A_41 : i32
    "tpu.region"() ({
      %run_scoped3A = tpu.sem_alloc : memref<!tpu.dma_semaphore, #tpu.memory_space<semaphore_mem>>
      %dma_start3A_79 = tpu.memref_slice %arg3[%add3A_42] : memref<100352xi32, #tpu.memory_space<hbm>> -> memref<392xi32, #tpu.memory_space<hbm>>
      %dma_start3A_80 = tpu.memref_slice %arg3[%add3A_42] : memref<100352xi32, #tpu.memory_space<hbm>> -> memref<392xi32, #tpu.memory_space<hbm>>
      tpu.enqueue_dma source(%dma_start3A_80 : memref<392xi32, #tpu.memory_space<hbm>>) target(%arg5 : memref<392xi32, #tpu.memory_space<vmem>>) target_semaphore(%run_scoped3A : memref<!tpu.dma_semaphore, #tpu.memory_space<semaphore_mem>>)
      %dma_wait3A_81 = tpu.memref_slice %arg3[%add3A_42] : memref<100352xi32, #tpu.memory_space<hbm>> -> memref<392xi32, #tpu.memory_space<hbm>>
      %dma_wait3A_82 = tpu.memref_slice %arg3[%add3A_42] : memref<100352xi32, #tpu.memory_space<hbm>> -> memref<392xi32, #tpu.memory_space<hbm>>
      tpu.wait_dma2 semaphore(%run_scoped3A : memref<!tpu.dma_semaphore, #tpu.memory_space<semaphore_mem>>) src(%dma_wait3A_82 : memref<392xi32, #tpu.memory_space<hbm>>) dst(%arg5 : memref<392xi32, #tpu.memory_space<vmem>>)
      tpu.yield
    }) : () -> ()
    %dma_start3A_43 = arith.constant 0 : i32
    %dma_start3A_44 = arith.constant 0 : i32
    %dma_start3A_45 = tpu.memref_slice %arg2[%dma_start3A_43, %dma_start3A_44] : memref<1024x128xf32, #tpu.memory_space<hbm>> -> memref<1024x128xf32, #tpu.memory_space<hbm>>
    tpu.enqueue_indirect_dma source(%dma_start3A_45 : memref<1024x128xf32, #tpu.memory_space<hbm>>) target(%arg6 : memref<392x128xf32, #tpu.memory_space<vmem>>) offsets(%arg5 : memref<392xi32, #tpu.memory_space<vmem>>) semaphore(%arg7 : memref<!tpu.dma_semaphore, #tpu.memory_space<semaphore_mem>>)
    %dma_wait3A_46 = arith.constant 0 : i32
    %dma_wait3A_47 = arith.constant 0 : i32
    %dma_wait3A_48 = tpu.memref_slice %arg2[%dma_wait3A_46, %dma_wait3A_47] : memref<1024x128xf32, #tpu.memory_space<hbm>> -> memref<1024x128xf32, #tpu.memory_space<hbm>>
    tpu.wait_indirect_dma semaphore(%arg7 : memref<!tpu.dma_semaphore, #tpu.memory_space<semaphore_mem>>) src(%dma_wait3A_48 : memref<1024x128xf32, #tpu.memory_space<hbm>>) dst(%arg6 : memref<392x128xf32, #tpu.memory_space<vmem>>)
    "tpu.region"() ({
      %run_scoped3A = tpu.sem_alloc : memref<!tpu.dma_semaphore, #tpu.memory_space<semaphore_mem>>
      %dma_start3A_79 = arith.constant 0 : i32
      %dma_start3A_80 = tpu.memref_slice %arg4[%add3A_42, %dma_start3A_79] : memref<100352x128xf32, #tpu.memory_space<hbm>> -> memref<392x128xf32, #tpu.memory_space<hbm>>
      %dma_start3A_81 = arith.constant 0 : i32
      %dma_start3A_82 = tpu.memref_slice %arg4[%add3A_42, %dma_start3A_81] : memref<100352x128xf32, #tpu.memory_space<hbm>> -> memref<392x128xf32, #tpu.memory_space<hbm>>
      tpu.enqueue_dma source(%arg6 : memref<392x128xf32, #tpu.memory_space<vmem>>) target(%dma_start3A_82 : memref<392x128xf32, #tpu.memory_space<hbm>>) target_semaphore(%run_scoped3A : memref<!tpu.dma_semaphore, #tpu.memory_space<semaphore_mem>>)
      %dma_wait3A_83 = arith.constant 0 : i32
      %dma_wait3A_84 = tpu.memref_slice %arg4[%add3A_42, %dma_wait3A_83] : memref<100352x128xf32, #tpu.memory_space<hbm>> -> memref<392x128xf32, #tpu.memory_space<hbm>>
      %dma_wait3A_85 = arith.constant 0 : i32
      %dma_wait3A_86 = tpu.memref_slice %arg4[%add3A_42, %dma_wait3A_85] : memref<100352x128xf32, #tpu.memory_space<hbm>> -> memref<392x128xf32, #tpu.memory_space<hbm>>
      tpu.wait_dma2 semaphore(%run_scoped3A : memref<!tpu.dma_semaphore, #tpu.memory_space<semaphore_mem>>) src(%arg6 : memref<392x128xf32, #tpu.memory_space<vmem>>) dst(%dma_wait3A_86 : memref<392x128xf32, #tpu.memory_space<hbm>>)
      tpu.yield
    }) : () -> ()
    %mul3A_49 = arith.constant 3136 : i32
    %mul3A_50 = arith.muli %add3A, %mul3A_49 : i32
    %add3A_51 = arith.constant 1960 : i32
    %add3A_52 = arith.addi %mul3A_50, %add3A_51 : i32
    "tpu.region"() ({
      %run_scoped3A = tpu.sem_alloc : memref<!tpu.dma_semaphore, #tpu.memory_space<semaphore_mem>>
      %dma_start3A_79 = tpu.memref_slice %arg3[%add3A_52] : memref<100352xi32, #tpu.memory_space<hbm>> -> memref<392xi32, #tpu.memory_space<hbm>>
      %dma_start3A_80 = tpu.memref_slice %arg3[%add3A_52] : memref<100352xi32, #tpu.memory_space<hbm>> -> memref<392xi32, #tpu.memory_space<hbm>>
      tpu.enqueue_dma source(%dma_start3A_80 : memref<392xi32, #tpu.memory_space<hbm>>) target(%arg5 : memref<392xi32, #tpu.memory_space<vmem>>) target_semaphore(%run_scoped3A : memref<!tpu.dma_semaphore, #tpu.memory_space<semaphore_mem>>)
      %dma_wait3A_81 = tpu.memref_slice %arg3[%add3A_52] : memref<100352xi32, #tpu.memory_space<hbm>> -> memref<392xi32, #tpu.memory_space<hbm>>
      %dma_wait3A_82 = tpu.memref_slice %arg3[%add3A_52] : memref<100352xi32, #tpu.memory_space<hbm>> -> memref<392xi32, #tpu.memory_space<hbm>>
      tpu.wait_dma2 semaphore(%run_scoped3A : memref<!tpu.dma_semaphore, #tpu.memory_space<semaphore_mem>>) src(%dma_wait3A_82 : memref<392xi32, #tpu.memory_space<hbm>>) dst(%arg5 : memref<392xi32, #tpu.memory_space<vmem>>)
      tpu.yield
    }) : () -> ()
    %dma_start3A_53 = arith.constant 0 : i32
    %dma_start3A_54 = arith.constant 0 : i32
    %dma_start3A_55 = tpu.memref_slice %arg2[%dma_start3A_53, %dma_start3A_54] : memref<1024x128xf32, #tpu.memory_space<hbm>> -> memref<1024x128xf32, #tpu.memory_space<hbm>>
    tpu.enqueue_indirect_dma source(%dma_start3A_55 : memref<1024x128xf32, #tpu.memory_space<hbm>>) target(%arg6 : memref<392x128xf32, #tpu.memory_space<vmem>>) offsets(%arg5 : memref<392xi32, #tpu.memory_space<vmem>>) semaphore(%arg7 : memref<!tpu.dma_semaphore, #tpu.memory_space<semaphore_mem>>)
    %dma_wait3A_56 = arith.constant 0 : i32
    %dma_wait3A_57 = arith.constant 0 : i32
    %dma_wait3A_58 = tpu.memref_slice %arg2[%dma_wait3A_56, %dma_wait3A_57] : memref<1024x128xf32, #tpu.memory_space<hbm>> -> memref<1024x128xf32, #tpu.memory_space<hbm>>
    tpu.wait_indirect_dma semaphore(%arg7 : memref<!tpu.dma_semaphore, #tpu.memory_space<semaphore_mem>>) src(%dma_wait3A_58 : memref<1024x128xf32, #tpu.memory_space<hbm>>) dst(%arg6 : memref<392x128xf32, #tpu.memory_space<vmem>>)
    "tpu.region"() ({
      %run_scoped3A = tpu.sem_alloc : memref<!tpu.dma_semaphore, #tpu.memory_space<semaphore_mem>>
      %dma_start3A_79 = arith.constant 0 : i32
      %dma_start3A_80 = tpu.memref_slice %arg4[%add3A_52, %dma_start3A_79] : memref<100352x128xf32, #tpu.memory_space<hbm>> -> memref<392x128xf32, #tpu.memory_space<hbm>>
      %dma_start3A_81 = arith.constant 0 : i32
      %dma_start3A_82 = tpu.memref_slice %arg4[%add3A_52, %dma_start3A_81] : memref<100352x128xf32, #tpu.memory_space<hbm>> -> memref<392x128xf32, #tpu.memory_space<hbm>>
      tpu.enqueue_dma source(%arg6 : memref<392x128xf32, #tpu.memory_space<vmem>>) target(%dma_start3A_82 : memref<392x128xf32, #tpu.memory_space<hbm>>) target_semaphore(%run_scoped3A : memref<!tpu.dma_semaphore, #tpu.memory_space<semaphore_mem>>)
      %dma_wait3A_83 = arith.constant 0 : i32
      %dma_wait3A_84 = tpu.memref_slice %arg4[%add3A_52, %dma_wait3A_83] : memref<100352x128xf32, #tpu.memory_space<hbm>> -> memref<392x128xf32, #tpu.memory_space<hbm>>
      %dma_wait3A_85 = arith.constant 0 : i32
      %dma_wait3A_86 = tpu.memref_slice %arg4[%add3A_52, %dma_wait3A_85] : memref<100352x128xf32, #tpu.memory_space<hbm>> -> memref<392x128xf32, #tpu.memory_space<hbm>>
      tpu.wait_dma2 semaphore(%run_scoped3A : memref<!tpu.dma_semaphore, #tpu.memory_space<semaphore_mem>>) src(%arg6 : memref<392x128xf32, #tpu.memory_space<vmem>>) dst(%dma_wait3A_86 : memref<392x128xf32, #tpu.memory_space<hbm>>)
      tpu.yield
    }) : () -> ()
    %mul3A_59 = arith.constant 3136 : i32
    %mul3A_60 = arith.muli %add3A, %mul3A_59 : i32
    %add3A_61 = arith.constant 2352 : i32
    %add3A_62 = arith.addi %mul3A_60, %add3A_61 : i32
    "tpu.region"() ({
      %run_scoped3A = tpu.sem_alloc : memref<!tpu.dma_semaphore, #tpu.memory_space<semaphore_mem>>
      %dma_start3A_79 = tpu.memref_slice %arg3[%add3A_62] : memref<100352xi32, #tpu.memory_space<hbm>> -> memref<392xi32, #tpu.memory_space<hbm>>
      %dma_start3A_80 = tpu.memref_slice %arg3[%add3A_62] : memref<100352xi32, #tpu.memory_space<hbm>> -> memref<392xi32, #tpu.memory_space<hbm>>
      tpu.enqueue_dma source(%dma_start3A_80 : memref<392xi32, #tpu.memory_space<hbm>>) target(%arg5 : memref<392xi32, #tpu.memory_space<vmem>>) target_semaphore(%run_scoped3A : memref<!tpu.dma_semaphore, #tpu.memory_space<semaphore_mem>>)
      %dma_wait3A_81 = tpu.memref_slice %arg3[%add3A_62] : memref<100352xi32, #tpu.memory_space<hbm>> -> memref<392xi32, #tpu.memory_space<hbm>>
      %dma_wait3A_82 = tpu.memref_slice %arg3[%add3A_62] : memref<100352xi32, #tpu.memory_space<hbm>> -> memref<392xi32, #tpu.memory_space<hbm>>
      tpu.wait_dma2 semaphore(%run_scoped3A : memref<!tpu.dma_semaphore, #tpu.memory_space<semaphore_mem>>) src(%dma_wait3A_82 : memref<392xi32, #tpu.memory_space<hbm>>) dst(%arg5 : memref<392xi32, #tpu.memory_space<vmem>>)
      tpu.yield
    }) : () -> ()
    %dma_start3A_63 = arith.constant 0 : i32
    %dma_start3A_64 = arith.constant 0 : i32
    %dma_start3A_65 = tpu.memref_slice %arg2[%dma_start3A_63, %dma_start3A_64] : memref<1024x128xf32, #tpu.memory_space<hbm>> -> memref<1024x128xf32, #tpu.memory_space<hbm>>
    tpu.enqueue_indirect_dma source(%dma_start3A_65 : memref<1024x128xf32, #tpu.memory_space<hbm>>) target(%arg6 : memref<392x128xf32, #tpu.memory_space<vmem>>) offsets(%arg5 : memref<392xi32, #tpu.memory_space<vmem>>) semaphore(%arg7 : memref<!tpu.dma_semaphore, #tpu.memory_space<semaphore_mem>>)
    %dma_wait3A_66 = arith.constant 0 : i32
    %dma_wait3A_67 = arith.constant 0 : i32
    %dma_wait3A_68 = tpu.memref_slice %arg2[%dma_wait3A_66, %dma_wait3A_67] : memref<1024x128xf32, #tpu.memory_space<hbm>> -> memref<1024x128xf32, #tpu.memory_space<hbm>>
    tpu.wait_indirect_dma semaphore(%arg7 : memref<!tpu.dma_semaphore, #tpu.memory_space<semaphore_mem>>) src(%dma_wait3A_68 : memref<1024x128xf32, #tpu.memory_space<hbm>>) dst(%arg6 : memref<392x128xf32, #tpu.memory_space<vmem>>)
    "tpu.region"() ({
      %run_scoped3A = tpu.sem_alloc : memref<!tpu.dma_semaphore, #tpu.memory_space<semaphore_mem>>
      %dma_start3A_79 = arith.constant 0 : i32
      %dma_start3A_80 = tpu.memref_slice %arg4[%add3A_62, %dma_start3A_79] : memref<100352x128xf32, #tpu.memory_space<hbm>> -> memref<392x128xf32, #tpu.memory_space<hbm>>
      %dma_start3A_81 = arith.constant 0 : i32
      %dma_start3A_82 = tpu.memref_slice %arg4[%add3A_62, %dma_start3A_81] : memref<100352x128xf32, #tpu.memory_space<hbm>> -> memref<392x128xf32, #tpu.memory_space<hbm>>
      tpu.enqueue_dma source(%arg6 : memref<392x128xf32, #tpu.memory_space<vmem>>) target(%dma_start3A_82 : memref<392x128xf32, #tpu.memory_space<hbm>>) target_semaphore(%run_scoped3A : memref<!tpu.dma_semaphore, #tpu.memory_space<semaphore_mem>>)
      %dma_wait3A_83 = arith.constant 0 : i32
      %dma_wait3A_84 = tpu.memref_slice %arg4[%add3A_62, %dma_wait3A_83] : memref<100352x128xf32, #tpu.memory_space<hbm>> -> memref<392x128xf32, #tpu.memory_space<hbm>>
      %dma_wait3A_85 = arith.constant 0 : i32
      %dma_wait3A_86 = tpu.memref_slice %arg4[%add3A_62, %dma_wait3A_85] : memref<100352x128xf32, #tpu.memory_space<hbm>> -> memref<392x128xf32, #tpu.memory_space<hbm>>
      tpu.wait_dma2 semaphore(%run_scoped3A : memref<!tpu.dma_semaphore, #tpu.memory_space<semaphore_mem>>) src(%arg6 : memref<392x128xf32, #tpu.memory_space<vmem>>) dst(%dma_wait3A_86 : memref<392x128xf32, #tpu.memory_space<hbm>>)
      tpu.yield
    }) : () -> ()
    %mul3A_69 = arith.constant 3136 : i32
    %mul3A_70 = arith.muli %add3A, %mul3A_69 : i32
    %add3A_71 = arith.constant 2744 : i32
    %add3A_72 = arith.addi %mul3A_70, %add3A_71 : i32
    "tpu.region"() ({
      %run_scoped3A = tpu.sem_alloc : memref<!tpu.dma_semaphore, #tpu.memory_space<semaphore_mem>>
      %dma_start3A_79 = tpu.memref_slice %arg3[%add3A_72] : memref<100352xi32, #tpu.memory_space<hbm>> -> memref<392xi32, #tpu.memory_space<hbm>>
      %dma_start3A_80 = tpu.memref_slice %arg3[%add3A_72] : memref<100352xi32, #tpu.memory_space<hbm>> -> memref<392xi32, #tpu.memory_space<hbm>>
      tpu.enqueue_dma source(%dma_start3A_80 : memref<392xi32, #tpu.memory_space<hbm>>) target(%arg5 : memref<392xi32, #tpu.memory_space<vmem>>) target_semaphore(%run_scoped3A : memref<!tpu.dma_semaphore, #tpu.memory_space<semaphore_mem>>)
      %dma_wait3A_81 = tpu.memref_slice %arg3[%add3A_72] : memref<100352xi32, #tpu.memory_space<hbm>> -> memref<392xi32, #tpu.memory_space<hbm>>
      %dma_wait3A_82 = tpu.memref_slice %arg3[%add3A_72] : memref<100352xi32, #tpu.memory_space<hbm>> -> memref<392xi32, #tpu.memory_space<hbm>>
      tpu.wait_dma2 semaphore(%run_scoped3A : memref<!tpu.dma_semaphore, #tpu.memory_space<semaphore_mem>>) src(%dma_wait3A_82 : memref<392xi32, #tpu.memory_space<hbm>>) dst(%arg5 : memref<392xi32, #tpu.memory_space<vmem>>)
      tpu.yield
    }) : () -> ()
    %dma_start3A_73 = arith.constant 0 : i32
    %dma_start3A_74 = arith.constant 0 : i32
    %dma_start3A_75 = tpu.memref_slice %arg2[%dma_start3A_73, %dma_start3A_74] : memref<1024x128xf32, #tpu.memory_space<hbm>> -> memref<1024x128xf32, #tpu.memory_space<hbm>>
    tpu.enqueue_indirect_dma source(%dma_start3A_75 : memref<1024x128xf32, #tpu.memory_space<hbm>>) target(%arg6 : memref<392x128xf32, #tpu.memory_space<vmem>>) offsets(%arg5 : memref<392xi32, #tpu.memory_space<vmem>>) semaphore(%arg7 : memref<!tpu.dma_semaphore, #tpu.memory_space<semaphore_mem>>)
    %dma_wait3A_76 = arith.constant 0 : i32
    %dma_wait3A_77 = arith.constant 0 : i32
    %dma_wait3A_78 = tpu.memref_slice %arg2[%dma_wait3A_76, %dma_wait3A_77] : memref<1024x128xf32, #tpu.memory_space<hbm>> -> memref<1024x128xf32, #tpu.memory_space<hbm>>
    tpu.wait_indirect_dma semaphore(%arg7 : memref<!tpu.dma_semaphore, #tpu.memory_space<semaphore_mem>>) src(%dma_wait3A_78 : memref<1024x128xf32, #tpu.memory_space<hbm>>) dst(%arg6 : memref<392x128xf32, #tpu.memory_space<vmem>>)
    "tpu.region"() ({
      %run_scoped3A = tpu.sem_alloc : memref<!tpu.dma_semaphore, #tpu.memory_space<semaphore_mem>>
      %dma_start3A_79 = arith.constant 0 : i32
      %dma_start3A_80 = tpu.memref_slice %arg4[%add3A_72, %dma_start3A_79] : memref<100352x128xf32, #tpu.memory_space<hbm>> -> memref<392x128xf32, #tpu.memory_space<hbm>>
      %dma_start3A_81 = arith.constant 0 : i32
      %dma_start3A_82 = tpu.memref_slice %arg4[%add3A_72, %dma_start3A_81] : memref<100352x128xf32, #tpu.memory_space<hbm>> -> memref<392x128xf32, #tpu.memory_space<hbm>>
      tpu.enqueue_dma source(%arg6 : memref<392x128xf32, #tpu.memory_space<vmem>>) target(%dma_start3A_82 : memref<392x128xf32, #tpu.memory_space<hbm>>) target_semaphore(%run_scoped3A : memref<!tpu.dma_semaphore, #tpu.memory_space<semaphore_mem>>)
      %dma_wait3A_83 = arith.constant 0 : i32
      %dma_wait3A_84 = tpu.memref_slice %arg4[%add3A_72, %dma_wait3A_83] : memref<100352x128xf32, #tpu.memory_space<hbm>> -> memref<392x128xf32, #tpu.memory_space<hbm>>
      %dma_wait3A_85 = arith.constant 0 : i32
      %dma_wait3A_86 = tpu.memref_slice %arg4[%add3A_72, %dma_wait3A_85] : memref<100352x128xf32, #tpu.memory_space<hbm>> -> memref<392x128xf32, #tpu.memory_space<hbm>>
      tpu.wait_dma2 semaphore(%run_scoped3A : memref<!tpu.dma_semaphore, #tpu.memory_space<semaphore_mem>>) src(%arg6 : memref<392x128xf32, #tpu.memory_space<vmem>>) dst(%dma_wait3A_86 : memref<392x128xf32, #tpu.memory_space<hbm>>)
      tpu.yield
    }) : () -> ()
    return
  }
}

module attributes {stable_mosaic.version = 14 : i64} {
  func.func @_u1p_body(%arg0: memref<1024x128xf32, #tpu.memory_space<vmem>>, %arg1: memref<128x128xf32, #tpu.memory_space<vmem>>, %arg2: memref<1024x128xf32, #tpu.memory_space<vmem>>) attributes {dimension_semantics = [], scalar_prefetch = 0 : i64, scratch_operands = 0 : i64, tpu.core_type = #tpu.core_type<tc>} {
    %get3A = arith.constant 0 : index
    %get3A_0 = arith.constant 0 : index
    %get3A_1 = vector.load %arg0[%get3A, %get3A_0] : memref<1024x128xf32, #tpu.memory_space<vmem>>, vector<1024x128xf32>
    %get3A_2 = arith.constant 0 : index
    %get3A_3 = arith.constant 0 : index
    %get3A_4 = vector.load %arg1[%get3A_2, %get3A_3] : memref<128x128xf32, #tpu.memory_space<vmem>>, vector<128x128xf32>
    %convert_element_type3A = arith.truncf %get3A_1 : vector<1024x128xf32> to vector<1024x128xbf16>
    %convert_element_type3A_5 = arith.truncf %get3A_4 : vector<128x128xf32> to vector<128x128xbf16>
    %dot_general3A = arith.constant dense<0.000000e+00> : vector<1024x128xf32>
    %dot_general3A_6 = tpu.matmul %convert_element_type3A, %convert_element_type3A_5, %dot_general3A {dimension_numbers = #tpu.dot_dimension_numbers<[1], [1], [0], [0], [0, 0, 1, 0], [], []>, transpose_lhs_hint = false} : vector<1024x128xbf16>, vector<128x128xbf16>, vector<1024x128xf32> -> vector<1024x128xf32>
    %swap3A = arith.constant 0 : index
    %swap3A_7 = arith.constant 0 : index
    %swap3A_8 = vector.load %arg2[%swap3A, %swap3A_7] : memref<1024x128xf32, #tpu.memory_space<vmem>>, vector<1024x128xf32>
    tpu.vector_store %arg2[%swap3A, %swap3A_7], %dot_general3A_6 {strides = array<i32>} : memref<1024x128xf32, #tpu.memory_space<vmem>>, vector<1024x128xf32>,
    return
  }
}

module attributes {stable_mosaic.version = 14 : i64} {
  func.func @_body(%arg0: i32, %arg1: memref<10x2xi32, #tpu.memory_space<smem>>, %arg2: memref<10000x128xf32, #tpu.memory_space<vmem>>, %arg3: memref<1x1x10000xi32, #tpu.memory_space<vmem>>, %arg4: memref<10000x128xf32, #tpu.memory_space<vmem>>, %arg5: memref<1024x128xf32, #tpu.memory_space<vmem>>, %arg6: memref<128x128xf32, #tpu.memory_space<vmem>>, %arg7: memref<1x128xf32, #tpu.memory_space<vmem>>, %arg8: memref<128x128xf32, #tpu.memory_space<vmem>>, %arg9: memref<1x128xf32, #tpu.memory_space<vmem>>, %arg10: memref<128x128xf32, #tpu.memory_space<vmem>>, %arg11: memref<1x128xf32, #tpu.memory_space<vmem>>, %arg12: memref<1x128xf32, #tpu.memory_space<vmem>>, %arg13: memref<1x128xf32, #tpu.memory_space<vmem>>, %arg14: memref<128x128xf32, #tpu.memory_space<vmem>>, %arg15: memref<128x128xf32, #tpu.memory_space<vmem>>, %arg16: memref<1x128xf32, #tpu.memory_space<vmem>>, %arg17: memref<128x128xf32, #tpu.memory_space<vmem>>, %arg18: memref<1x128xf32, #tpu.memory_space<vmem>>, %arg19: memref<128x128xf32, #tpu.memory_space<vmem>>, %arg20: memref<1x128xf32, #tpu.memory_space<vmem>>, %arg21: memref<1x128xf32, #tpu.memory_space<vmem>>, %arg22: memref<1x128xf32, #tpu.memory_space<vmem>>, %arg23: memref<1024x128xf32, #tpu.memory_space<vmem>>, %arg24: memref<1152x128xf32, #tpu.memory_space<vmem>>) attributes {dimension_semantics = [#tpu.dimension_semantics<arbitrary>], iteration_bounds = array<i64: 10>, scalar_prefetch = 1 : i64, scratch_operands = 1 : i64, tpu.core_type = #tpu.core_type<tc>, window_params = [{transform_indices = @transform_0, window_bounds = array<i64: 10000, 128>}, {transform_indices = @transform_1, window_bounds = array<i64: 1, 1, 10000>}, {transform_indices = @transform_2, window_bounds = array<i64: 10000, 128>}, {pipeline_mode = #tpu.pipeline_mode<synchronous>, transform_indices = @transform_3, window_bounds = array<i64: 1024, 128>}, {pipeline_mode = #tpu.pipeline_mode<synchronous>, transform_indices = @transform_4, window_bounds = array<i64: 128, 128>}, {pipeline_mode = #tpu.pipeline_mode<synchronous>, transform_indices = @transform_5, window_bounds = array<i64: 1, 128>}, {pipeline_mode = #tpu.pipeline_mode<synchronous>, transform_indices = @transform_6, window_bounds = array<i64: 128, 128>}, {pipeline_mode = #tpu.pipeline_mode<synchronous>, transform_indices = @transform_7, window_bounds = array<i64: 1, 128>}, {pipeline_mode = #tpu.pipeline_mode<synchronous>, transform_indices = @transform_8, window_bounds = array<i64: 128, 128>}, {pipeline_mode = #tpu.pipeline_mode<synchronous>, transform_indices = @transform_9, window_bounds = array<i64: 1, 128>}, {pipeline_mode = #tpu.pipeline_mode<synchronous>, transform_indices = @transform_10, window_bounds = array<i64: 1, 128>}, {pipeline_mode = #tpu.pipeline_mode<synchronous>, transform_indices = @transform_11, window_bounds = array<i64: 1, 128>}, {pipeline_mode = #tpu.pipeline_mode<synchronous>, transform_indices = @transform_12, window_bounds = array<i64: 128, 128>}, {pipeline_mode = #tpu.pipeline_mode<synchronous>, transform_indices = @transform_13, window_bounds = array<i64: 128, 128>}, {pipeline_mode = #tpu.pipeline_mode<synchronous>, transform_indices = @transform_14, window_bounds = array<i64: 1, 128>}, {pipeline_mode = #tpu.pipeline_mode<synchronous>, transform_indices = @transform_15, window_bounds = array<i64: 128, 128>}, {pipeline_mode = #tpu.pipeline_mode<synchronous>, transform_indices = @transform_16, window_bounds = array<i64: 1, 128>}, {pipeline_mode = #tpu.pipeline_mode<synchronous>, transform_indices = @transform_17, window_bounds = array<i64: 128, 128>}, {pipeline_mode = #tpu.pipeline_mode<synchronous>, transform_indices = @transform_18, window_bounds = array<i64: 1, 128>}, {pipeline_mode = #tpu.pipeline_mode<synchronous>, transform_indices = @transform_19, window_bounds = array<i64: 1, 128>}, {pipeline_mode = #tpu.pipeline_mode<synchronous>, transform_indices = @transform_20, window_bounds = array<i64: 1, 128>}, {pipeline_mode = #tpu.pipeline_mode<synchronous>, transform_indices = @transform_21, window_bounds = array<i64: 1024, 128>}]} {
    %eq3A = arith.constant 0 : i32
    %eq3A_0 = arith.cmpi eq, %arg0, %eq3A : i32
    %convert_element_type3A = arith.extui %eq3A_0 : i1 to i32
    %cond3A = arith.constant 0 : i32
    %cond3A_1 = arith.cmpi ne, %convert_element_type3A, %cond3A : i32
    scf.if %cond3A_1 {
      %broadcast_in_dim3A_120 = arith.constant 0.000000e+00 : f32
      %broadcast_in_dim3A_121 = vector.broadcast %broadcast_in_dim3A_120 : f32 to vector<1152x128xf32>
      %swap3A = arith.constant 0 : index
      %swap3A_122 = arith.constant 0 : index
      %swap3A_123 = vector.load %arg24[%swap3A, %swap3A_122] : memref<1152x128xf32, #tpu.memory_space<vmem>>, vector<1152x128xf32>
      tpu.vector_store %arg24[%swap3A, %swap3A_122], %broadcast_in_dim3A_121 {strides = array<i32>} : memref<1152x128xf32, #tpu.memory_space<vmem>>, vector<1152x128xf32>,
    } else {
    }
    %get3A = arith.constant 0 : index
    %get3A_2 = arith.constant 0 : index
    %get3A_3 = arith.constant 0 : index
    %get3A_4 = vector.load %arg3[%get3A, %get3A_2, %get3A_3] : memref<1x1x10000xi32, #tpu.memory_space<vmem>>, vector<1x1x10000xi32>
    %get3A_5 = vector.shape_cast %get3A_4 : vector<1x1x10000xi32> to vector<1x10000xi32>
    %get3A_6 = arith.index_cast %arg0 : i32 to index
    %get3A_7 = arith.constant 0 : index
    %get3A_8 = memref.load %arg1[%get3A_6, %get3A_7] : memref<10x2xi32, #tpu.memory_space<smem>>
    %get3A_9 = arith.index_cast %arg0 : i32 to index
    %get3A_10 = arith.constant 1 : index
    %get3A_11 = memref.load %arg1[%get3A_9, %get3A_10] : memref<10x2xi32, #tpu.memory_space<smem>>
    %sub3A = arith.subi %get3A_11, %get3A_8 : i32
    %jit3A = arith.constant 128 : i32
    %div3A = arith.divsi %sub3A, %jit3A : i32
    %sign3A = arith.constant 0 : i32
    %sign3A_12 = arith.cmpi sgt, %sub3A, %sign3A : i32
    %sign3A_13 = arith.extui %sign3A_12 : i1 to i32
    %sign3A_14 = arith.constant 0 : i32
    %sign3A_15 = arith.cmpi slt, %sub3A, %sign3A_14 : i32
    %sign3A_16 = arith.extui %sign3A_15 : i1 to i32
    %sign3A_17 = arith.subi %sign3A_13, %sign3A_16 : i32
    %sign3A_18 = arith.constant 0 : i32
    %sign3A_19 = arith.cmpi sgt, %jit3A, %sign3A_18 : i32
    %sign3A_20 = arith.extui %sign3A_19 : i1 to i32
    %sign3A_21 = arith.constant 0 : i32
    %sign3A_22 = arith.cmpi slt, %jit3A, %sign3A_21 : i32
    %sign3A_23 = arith.extui %sign3A_22 : i1 to i32
    %sign3A_24 = arith.subi %sign3A_20, %sign3A_23 : i32
    %ne3A = arith.cmpi ne, %sign3A_17, %sign3A_24 : i32
    %rem3A = arith.remsi %sub3A, %jit3A : i32
    %ne3A_25 = arith.constant 0 : i32
    %ne3A_26 = arith.cmpi ne, %rem3A, %ne3A_25 : i32
    %and3A = arith.andi %ne3A, %ne3A_26 : i1
    %sub3A_27 = arith.constant 1 : i32
    %sub3A_28 = arith.subi %div3A, %sub3A_27 : i32
    %select_n3A = arith.select %and3A, %sub3A_28, %div3A : i32
    %add3A = arith.constant 1 : i32
    %add3A_29 = arith.addi %select_n3A, %add3A : i32
    %iota3A = tpu.iota {dimensions = array<i32: 0>} : vector<128x1xi32>
    %get3A_30 = arith.constant 0 : index
    %get3A_31 = arith.constant 0 : index
    %get3A_32 = vector.load %arg2[%get3A_30, %get3A_31] : memref<10000x128xf32, #tpu.memory_space<vmem>>, vector<10000x128xf32>
    %get3A_33 = arith.constant 0 : index
    %get3A_34 = arith.constant 0 : index
    %get3A_35 = vector.load %arg6[%get3A_33, %get3A_34] : memref<128x128xf32, #tpu.memory_space<vmem>>, vector<128x128xf32>
    %convert_element_type3A_36 = arith.truncf %get3A_32 : vector<10000x128xf32> to vector<10000x128xbf16>
    %convert_element_type3A_37 = arith.truncf %get3A_35 : vector<128x128xf32> to vector<128x128xbf16>
    %dot_general3A = arith.constant dense<0.000000e+00> : vector<10000x128xf32>
    %dot_general3A_38 = tpu.matmul %convert_element_type3A_36, %convert_element_type3A_37, %dot_general3A {dimension_numbers = #tpu.dot_dimension_numbers<[1], [1], [0], [0], [0, 0, 1, 0], [], []>, transpose_lhs_hint = false} : vector<10000x128xbf16>, vector<128x128xbf16>, vector<10000x128xf32> -> vector<10000x128xf32>
    %get3A_39 = arith.constant 0 : index
    %get3A_40 = arith.constant 0 : index
    %get3A_41 = vector.load %arg4[%get3A_39, %get3A_40] : memref<10000x128xf32, #tpu.memory_space<vmem>>, vector<10000x128xf32>
    %add3A_42 = arith.addf %dot_general3A_38, %get3A_41 : vector<10000x128xf32>
    %get3A_43 = arith.constant 0 : index
    %get3A_44 = arith.constant 0 : index
    %get3A_45 = vector.load %arg7[%get3A_43, %get3A_44] : memref<1x128xf32, #tpu.memory_space<vmem>>, vector<1x128xf32>
    %add3A_46 = vector.broadcast %get3A_45 : vector<1x128xf32> to vector<10000x128xf32>
    %add3A_47 = arith.addf %add3A_42, %add3A_46 : vector<10000x128xf32>
    %max3A = arith.constant 0.000000e+00 : f32
    %max3A_48 = vector.broadcast %max3A : f32 to vector<10000x128xf32>
    %max3A_49 = arith.maximumf %add3A_47, %max3A_48 : vector<10000x128xf32>
    %get3A_50 = arith.constant 0 : index
    %get3A_51 = arith.constant 0 : index
    %get3A_52 = vector.load %arg8[%get3A_50, %get3A_51] : memref<128x128xf32, #tpu.memory_space<vmem>>, vector<128x128xf32>
    %convert_element_type3A_53 = arith.truncf %max3A_49 : vector<10000x128xf32> to vector<10000x128xbf16>
    %convert_element_type3A_54 = arith.truncf %get3A_52 : vector<128x128xf32> to vector<128x128xbf16>
    %dot_general3A_55 = arith.constant dense<0.000000e+00> : vector<10000x128xf32>
    %dot_general3A_56 = tpu.matmul %convert_element_type3A_53, %convert_element_type3A_54, %dot_general3A_55 {dimension_numbers = #tpu.dot_dimension_numbers<[1], [1], [0], [0], [0, 0, 1, 0], [], []>, transpose_lhs_hint = false} : vector<10000x128xbf16>, vector<128x128xbf16>, vector<10000x128xf32> -> vector<10000x128xf32>
    %get3A_57 = arith.constant 0 : index
    %get3A_58 = arith.constant 0 : index
    %get3A_59 = vector.load %arg9[%get3A_57, %get3A_58] : memref<1x128xf32, #tpu.memory_space<vmem>>, vector<1x128xf32>
    %add3A_60 = vector.broadcast %get3A_59 : vector<1x128xf32> to vector<10000x128xf32>
    %add3A_61 = arith.addf %dot_general3A_56, %add3A_60 : vector<10000x128xf32>
    %max3A_62 = arith.constant 0.000000e+00 : f32
    %max3A_63 = vector.broadcast %max3A_62 : f32 to vector<10000x128xf32>
    %max3A_64 = arith.maximumf %add3A_61, %max3A_63 : vector<10000x128xf32>
    %get3A_65 = arith.constant 0 : index
    %get3A_66 = arith.constant 0 : index
    %get3A_67 = vector.load %arg10[%get3A_65, %get3A_66] : memref<128x128xf32, #tpu.memory_space<vmem>>, vector<128x128xf32>
    %convert_element_type3A_68 = arith.truncf %max3A_64 : vector<10000x128xf32> to vector<10000x128xbf16>
    %convert_element_type3A_69 = arith.truncf %get3A_67 : vector<128x128xf32> to vector<128x128xbf16>
    %dot_general3A_70 = arith.constant dense<0.000000e+00> : vector<10000x128xf32>
    %dot_general3A_71 = tpu.matmul %convert_element_type3A_68, %convert_element_type3A_69, %dot_general3A_70 {dimension_numbers = #tpu.dot_dimension_numbers<[1], [1], [0], [0], [0, 0, 1, 0], [], []>, transpose_lhs_hint = false} : vector<10000x128xbf16>, vector<128x128xbf16>, vector<10000x128xf32> -> vector<10000x128xf32>
    %get3A_72 = arith.constant 0 : index
    %get3A_73 = arith.constant 0 : index
    %get3A_74 = vector.load %arg11[%get3A_72, %get3A_73] : memref<1x128xf32, #tpu.memory_space<vmem>>, vector<1x128xf32>
    %add3A_75 = vector.broadcast %get3A_74 : vector<1x128xf32> to vector<10000x128xf32>
    %add3A_76 = arith.addf %dot_general3A_71, %add3A_75 : vector<10000x128xf32>
    %reduce_sum3A = arith.constant dense<0.000000e+00> : vector<10000xf32>
    %reduce_sum3A_77 = vector.multi_reduction <add>, %add3A_76, %reduce_sum3A [1] : vector<10000x128xf32> to vector<10000xf32>
    %broadcast_in_dim3A = vector.shape_cast %reduce_sum3A_77 : vector<10000xf32> to vector<10000x1xf32>
    %div3A_78 = arith.constant 1.280000e+02 : f32
    %div3A_79 = vector.broadcast %div3A_78 : f32 to vector<10000x1xf32>
    %div3A_80 = arith.divf %broadcast_in_dim3A, %div3A_79 : vector<10000x1xf32>
    %sub3A_81 = vector.broadcast %div3A_80 : vector<10000x1xf32> to vector<10000x128xf32>
    %sub3A_82 = arith.subf %add3A_76, %sub3A_81 : vector<10000x128xf32>
    %square3A = arith.mulf %sub3A_82, %sub3A_82 : vector<10000x128xf32>
    %reduce_sum3A_83 = arith.constant dense<0.000000e+00> : vector<10000xf32>
    %reduce_sum3A_84 = vector.multi_reduction <add>, %square3A, %reduce_sum3A_83 [1] : vector<10000x128xf32> to vector<10000xf32>
    %broadcast_in_dim3A_85 = vector.shape_cast %reduce_sum3A_84 : vector<10000xf32> to vector<10000x1xf32>
    %div3A_86 = arith.constant 1.280000e+02 : f32
    %div3A_87 = vector.broadcast %div3A_86 : f32 to vector<10000x1xf32>
    %div3A_88 = arith.divf %broadcast_in_dim3A_85, %div3A_87 : vector<10000x1xf32>
    %sub3A_89 = vector.broadcast %div3A_80 : vector<10000x1xf32> to vector<10000x128xf32>
    %sub3A_90 = arith.subf %add3A_76, %sub3A_89 : vector<10000x128xf32>
    %add3A_91 = arith.constant 9.99999974E-6 : f32
    %add3A_92 = vector.broadcast %add3A_91 : f32 to vector<10000x1xf32>
    %add3A_93 = arith.addf %div3A_88, %add3A_92 : vector<10000x1xf32>
    %rsqrt3A = math.rsqrt %add3A_93 : vector<10000x1xf32>
    %mul3A = vector.broadcast %rsqrt3A : vector<10000x1xf32> to vector<10000x128xf32>
    %mul3A_94 = arith.mulf %sub3A_90, %mul3A : vector<10000x128xf32>
    %get3A_95 = arith.constant 0 : index
    %get3A_96 = arith.constant 0 : index
    %get3A_97 = vector.load %arg12[%get3A_95, %get3A_96] : memref<1x128xf32, #tpu.memory_space<vmem>>, vector<1x128xf32>
    %mul3A_98 = vector.broadcast %get3A_97 : vector<1x128xf32> to vector<10000x128xf32>
    %mul3A_99 = arith.mulf %mul3A_94, %mul3A_98 : vector<10000x128xf32>
    %get3A_100 = arith.constant 0 : index
    %get3A_101 = arith.constant 0 : index
    %get3A_102 = vector.load %arg13[%get3A_100, %get3A_101] : memref<1x128xf32, #tpu.memory_space<vmem>>, vector<1x128xf32>
    %add3A_103 = vector.broadcast %get3A_102 : vector<1x128xf32> to vector<10000x128xf32>
    %add3A_104 = arith.addf %mul3A_99, %add3A_103 : vector<10000x128xf32>
    %eq3A_105 = arith.constant 1 : i32
    %eq3A_106 = arith.cmpi eq, %add3A_29, %eq3A_105 : i32
    %convert_element_type3A_107 = arith.extui %eq3A_106 : i1 to i32
    %cond3A_108 = arith.constant 0 : i32
    %cond3A_109 = arith.cmpi ne, %convert_element_type3A_107, %cond3A_108 : i32
    scf.if %cond3A_109 {
      %sub3A_120 = vector.broadcast %get3A_8 : i32 to vector<1x10000xi32>
      %sub3A_121 = arith.subi %get3A_5, %sub3A_120 : vector<1x10000xi32>
      %eq3A_122 = vector.broadcast %sub3A_121 : vector<1x10000xi32> to vector<128x10000xi32>
      %eq3A_123 = vector.broadcast %iota3A : vector<128x1xi32> to vector<128x10000xi32>
      %eq3A_124 = arith.cmpi eq, %eq3A_122, %eq3A_123 : vector<128x10000xi32>
      %convert_element_type3A_125 = arith.extui %eq3A_124 : vector<128x10000xi1> to vector<128x10000xi32>
      %convert_element_type3A_126 = arith.sitofp %convert_element_type3A_125 : vector<128x10000xi32> to vector<128x10000xf32>
      %convert_element_type3A_127 = arith.truncf %convert_element_type3A_126 : vector<128x10000xf32> to vector<128x10000xbf16>
      %get3A_128 = arith.index_cast %get3A_8 : i32 to index
      %get3A_129 = arith.constant 0 : index
      %get3A_130 = vector.load %arg24[%get3A_128, %get3A_129] : memref<1152x128xf32, #tpu.memory_space<vmem>>, vector<128x128xf32>
      %convert_element_type3A_131 = arith.truncf %add3A_104 : vector<10000x128xf32> to vector<10000x128xbf16>
      %dot_general3A_132 = arith.constant dense<0.000000e+00> : vector<128x128xf32>
      %dot_general3A_133 = tpu.matmul %convert_element_type3A_127, %convert_element_type3A_131, %dot_general3A_132 {dimension_numbers = #tpu.dot_dimension_numbers<[1], [0], [0], [1], [0, 0, 1, 1], [], []>, transpose_lhs_hint = false} : vector<128x10000xbf16>, vector<10000x128xbf16>, vector<128x128xf32> -> vector<128x128xf32>
      %add3A_134 = arith.addf %get3A_130, %dot_general3A_133 : vector<128x128xf32>
      %swap3A = arith.index_cast %get3A_8 : i32 to index
      %swap3A_135 = arith.constant 0 : index
      %swap3A_136 = vector.load %arg24[%swap3A, %swap3A_135] : memref<1152x128xf32, #tpu.memory_space<vmem>>, vector<128x128xf32>
      tpu.vector_store %arg24[%swap3A, %swap3A_135], %add3A_134 {strides = array<i32>} : memref<1152x128xf32, #tpu.memory_space<vmem>>, vector<128x128xf32>,
    } else {
    }
    %ne3A_110 = arith.constant 1 : i32
    %ne3A_111 = arith.cmpi ne, %add3A_29, %ne3A_110 : i32
    %convert_element_type3A_112 = arith.extui %ne3A_111 : i1 to i32
    %cond3A_113 = arith.constant 0 : i32
    %cond3A_114 = arith.cmpi ne, %convert_element_type3A_112, %cond3A_113 : i32
    scf.if %cond3A_114 {
      %while3A = arith.constant 0 : i32
      %while3A_120 = arith.constant 0 : i32
      %while3A_121 = arith.subi %add3A_29, %while3A_120 : i32
      %while3A_122 = arith.addi %while3A_120, %while3A_121 : i32
      %while3A_123 = arith.constant 1 : i32
      %while3A_124 = arith.divsi %while3A_121, %while3A_123 : i32
      %while3A_125 = arith.muli %while3A_124, %while3A_123 : i32
      %while3A_126 = arith.addi %while3A_120, %while3A_125 : i32
      %while3A_127 = arith.constant 1 : i32
      scf.for %while3A_129 = %while3A_120 to %while3A_126 step %while3A_127  : i32 {
        %mul3A_130 = arith.constant 128 : i32
        %mul3A_131 = arith.muli %while3A_129, %mul3A_130 : i32
        %add3A_132 = arith.addi %get3A_8, %mul3A_131 : i32
        %sub3A_133 = vector.broadcast %add3A_132 : i32 to vector<1x10000xi32>
        %sub3A_134 = arith.subi %get3A_5, %sub3A_133 : vector<1x10000xi32>
        %eq3A_135 = vector.broadcast %sub3A_134 : vector<1x10000xi32> to vector<128x10000xi32>
        %eq3A_136 = vector.broadcast %iota3A : vector<128x1xi32> to vector<128x10000xi32>
        %eq3A_137 = arith.cmpi eq, %eq3A_135, %eq3A_136 : vector<128x10000xi32>
        %convert_element_type3A_138 = arith.extui %eq3A_137 : vector<128x10000xi1> to vector<128x10000xi32>
        %convert_element_type3A_139 = arith.sitofp %convert_element_type3A_138 : vector<128x10000xi32> to vector<128x10000xf32>
        %convert_element_type3A_140 = arith.truncf %convert_element_type3A_139 : vector<128x10000xf32> to vector<128x10000xbf16>
        %get3A_141 = arith.index_cast %add3A_132 : i32 to index
        %get3A_142 = arith.constant 0 : index
        %get3A_143 = vector.load %arg24[%get3A_141, %get3A_142] : memref<1152x128xf32, #tpu.memory_space<vmem>>, vector<128x128xf32>
        %convert_element_type3A_144 = arith.truncf %add3A_104 : vector<10000x128xf32> to vector<10000x128xbf16>
        %dot_general3A_145 = arith.constant dense<0.000000e+00> : vector<128x128xf32>
        %dot_general3A_146 = tpu.matmul %convert_element_type3A_140, %convert_element_type3A_144, %dot_general3A_145 {dimension_numbers = #tpu.dot_dimension_numbers<[1], [0], [0], [1], [0, 0, 1, 1], [], []>, transpose_lhs_hint = false} : vector<128x10000xbf16>, vector<10000x128xbf16>, vector<128x128xf32> -> vector<128x128xf32>
        %add3A_147 = arith.addf %get3A_143, %dot_general3A_146 : vector<128x128xf32>
        %swap3A = arith.index_cast %add3A_132 : i32 to index
        %swap3A_148 = arith.constant 0 : index
        %swap3A_149 = vector.load %arg24[%swap3A, %swap3A_148] : memref<1152x128xf32, #tpu.memory_space<vmem>>, vector<128x128xf32>
        tpu.vector_store %arg24[%swap3A, %swap3A_148], %add3A_147 {strides = array<i32>} : memref<1152x128xf32, #tpu.memory_space<vmem>>, vector<128x128xf32>,
      }
      %while3A_128 = arith.constant 1 : i32
      scf.for %while3A_129 = %while3A_126 to %while3A_122 step %while3A_128  : i32 {
        %mul3A_130 = arith.constant 128 : i32
        %mul3A_131 = arith.muli %while3A_129, %mul3A_130 : i32
        %add3A_132 = arith.addi %get3A_8, %mul3A_131 : i32
        %sub3A_133 = vector.broadcast %add3A_132 : i32 to vector<1x10000xi32>
        %sub3A_134 = arith.subi %get3A_5, %sub3A_133 : vector<1x10000xi32>
        %eq3A_135 = vector.broadcast %sub3A_134 : vector<1x10000xi32> to vector<128x10000xi32>
        %eq3A_136 = vector.broadcast %iota3A : vector<128x1xi32> to vector<128x10000xi32>
        %eq3A_137 = arith.cmpi eq, %eq3A_135, %eq3A_136 : vector<128x10000xi32>
        %convert_element_type3A_138 = arith.extui %eq3A_137 : vector<128x10000xi1> to vector<128x10000xi32>
        %convert_element_type3A_139 = arith.sitofp %convert_element_type3A_138 : vector<128x10000xi32> to vector<128x10000xf32>
        %convert_element_type3A_140 = arith.truncf %convert_element_type3A_139 : vector<128x10000xf32> to vector<128x10000xbf16>
        %get3A_141 = arith.index_cast %add3A_132 : i32 to index
        %get3A_142 = arith.constant 0 : index
        %get3A_143 = vector.load %arg24[%get3A_141, %get3A_142] : memref<1152x128xf32, #tpu.memory_space<vmem>>, vector<128x128xf32>
        %convert_element_type3A_144 = arith.truncf %add3A_104 : vector<10000x128xf32> to vector<10000x128xbf16>
        %dot_general3A_145 = arith.constant dense<0.000000e+00> : vector<128x128xf32>
        %dot_general3A_146 = tpu.matmul %convert_element_type3A_140, %convert_element_type3A_144, %dot_general3A_145 {dimension_numbers = #tpu.dot_dimension_numbers<[1], [0], [0], [1], [0, 0, 1, 1], [], []>, transpose_lhs_hint = false} : vector<128x10000xbf16>, vector<10000x128xbf16>, vector<128x128xf32> -> vector<128x128xf32>
        %add3A_147 = arith.addf %get3A_143, %dot_general3A_146 : vector<128x128xf32>
        %swap3A = arith.index_cast %add3A_132 : i32 to index
        %swap3A_148 = arith.constant 0 : index
        %swap3A_149 = vector.load %arg24[%swap3A, %swap3A_148] : memref<1152x128xf32, #tpu.memory_space<vmem>>, vector<128x128xf32>
        tpu.vector_store %arg24[%swap3A, %swap3A_148], %add3A_147 {strides = array<i32>} : memref<1152x128xf32, #tpu.memory_space<vmem>>, vector<128x128xf32>,
      }
    } else {
    }
    %eq3A_115 = arith.constant 9 : i32
    %eq3A_116 = arith.cmpi eq, %arg0, %eq3A_115 : i32
    %convert_element_type3A_117 = arith.extui %eq3A_116 : i1 to i32
    %cond3A_118 = arith.constant 0 : i32
    %cond3A_119 = arith.cmpi ne, %convert_element_type3A_117, %cond3A_118 : i32
    scf.if %cond3A_119 {
      %get3A_120 = arith.constant 0 : index
      %get3A_121 = arith.constant 0 : index
      %get3A_122 = vector.load %arg24[%get3A_120, %get3A_121] : memref<1152x128xf32, #tpu.memory_space<vmem>>, vector<1024x128xf32>
      %get3A_123 = arith.constant 0 : index
      %get3A_124 = arith.constant 0 : index
      %get3A_125 = vector.load %arg5[%get3A_123, %get3A_124] : memref<1024x128xf32, #tpu.memory_space<vmem>>, vector<1024x128xf32>
      %get3A_126 = arith.constant 0 : index
      %get3A_127 = arith.constant 0 : index
      %get3A_128 = vector.load %arg14[%get3A_126, %get3A_127] : memref<128x128xf32, #tpu.memory_space<vmem>>, vector<128x128xf32>
      %convert_element_type3A_129 = arith.truncf %get3A_122 : vector<1024x128xf32> to vector<1024x128xbf16>
      %convert_element_type3A_130 = arith.truncf %get3A_128 : vector<128x128xf32> to vector<128x128xbf16>
      %dot_general3A_131 = arith.constant dense<0.000000e+00> : vector<1024x128xf32>
      %dot_general3A_132 = tpu.matmul %convert_element_type3A_129, %convert_element_type3A_130, %dot_general3A_131 {dimension_numbers = #tpu.dot_dimension_numbers<[1], [1], [0], [0], [0, 0, 1, 0], [], []>, transpose_lhs_hint = false} : vector<1024x128xbf16>, vector<128x128xbf16>, vector<1024x128xf32> -> vector<1024x128xf32>
      %get3A_133 = arith.constant 0 : index
      %get3A_134 = arith.constant 0 : index
      %get3A_135 = vector.load %arg15[%get3A_133, %get3A_134] : memref<128x128xf32, #tpu.memory_space<vmem>>, vector<128x128xf32>
      %convert_element_type3A_136 = arith.truncf %get3A_125 : vector<1024x128xf32> to vector<1024x128xbf16>
      %convert_element_type3A_137 = arith.truncf %get3A_135 : vector<128x128xf32> to vector<128x128xbf16>
      %dot_general3A_138 = arith.constant dense<0.000000e+00> : vector<1024x128xf32>
      %dot_general3A_139 = tpu.matmul %convert_element_type3A_136, %convert_element_type3A_137, %dot_general3A_138 {dimension_numbers = #tpu.dot_dimension_numbers<[1], [1], [0], [0], [0, 0, 1, 0], [], []>, transpose_lhs_hint = false} : vector<1024x128xbf16>, vector<128x128xbf16>, vector<1024x128xf32> -> vector<1024x128xf32>
      %add3A_140 = arith.addf %dot_general3A_132, %dot_general3A_139 : vector<1024x128xf32>
      %get3A_141 = arith.constant 0 : index
      %get3A_142 = arith.constant 0 : index
      %get3A_143 = vector.load %arg16[%get3A_141, %get3A_142] : memref<1x128xf32, #tpu.memory_space<vmem>>, vector<1x128xf32>
      %add3A_144 = vector.broadcast %get3A_143 : vector<1x128xf32> to vector<1024x128xf32>
      %add3A_145 = arith.addf %add3A_140, %add3A_144 : vector<1024x128xf32>
      %max3A_146 = arith.constant 0.000000e+00 : f32
      %max3A_147 = vector.broadcast %max3A_146 : f32 to vector<1024x128xf32>
      %max3A_148 = arith.maximumf %add3A_145, %max3A_147 : vector<1024x128xf32>
      %get3A_149 = arith.constant 0 : index
      %get3A_150 = arith.constant 0 : index
      %get3A_151 = vector.load %arg17[%get3A_149, %get3A_150] : memref<128x128xf32, #tpu.memory_space<vmem>>, vector<128x128xf32>
      %convert_element_type3A_152 = arith.truncf %max3A_148 : vector<1024x128xf32> to vector<1024x128xbf16>
      %convert_element_type3A_153 = arith.truncf %get3A_151 : vector<128x128xf32> to vector<128x128xbf16>
      %dot_general3A_154 = arith.constant dense<0.000000e+00> : vector<1024x128xf32>
      %dot_general3A_155 = tpu.matmul %convert_element_type3A_152, %convert_element_type3A_153, %dot_general3A_154 {dimension_numbers = #tpu.dot_dimension_numbers<[1], [1], [0], [0], [0, 0, 1, 0], [], []>, transpose_lhs_hint = false} : vector<1024x128xbf16>, vector<128x128xbf16>, vector<1024x128xf32> -> vector<1024x128xf32>
      %get3A_156 = arith.constant 0 : index
      %get3A_157 = arith.constant 0 : index
      %get3A_158 = vector.load %arg18[%get3A_156, %get3A_157] : memref<1x128xf32, #tpu.memory_space<vmem>>, vector<1x128xf32>
      %add3A_159 = vector.broadcast %get3A_158 : vector<1x128xf32> to vector<1024x128xf32>
      %add3A_160 = arith.addf %dot_general3A_155, %add3A_159 : vector<1024x128xf32>
      %max3A_161 = arith.constant 0.000000e+00 : f32
      %max3A_162 = vector.broadcast %max3A_161 : f32 to vector<1024x128xf32>
      %max3A_163 = arith.maximumf %add3A_160, %max3A_162 : vector<1024x128xf32>
      %get3A_164 = arith.constant 0 : index
      %get3A_165 = arith.constant 0 : index
      %get3A_166 = vector.load %arg19[%get3A_164, %get3A_165] : memref<128x128xf32, #tpu.memory_space<vmem>>, vector<128x128xf32>
      %convert_element_type3A_167 = arith.truncf %max3A_163 : vector<1024x128xf32> to vector<1024x128xbf16>
      %convert_element_type3A_168 = arith.truncf %get3A_166 : vector<128x128xf32> to vector<128x128xbf16>
      %dot_general3A_169 = arith.constant dense<0.000000e+00> : vector<1024x128xf32>
      %dot_general3A_170 = tpu.matmul %convert_element_type3A_167, %convert_element_type3A_168, %dot_general3A_169 {dimension_numbers = #tpu.dot_dimension_numbers<[1], [1], [0], [0], [0, 0, 1, 0], [], []>, transpose_lhs_hint = false} : vector<1024x128xbf16>, vector<128x128xbf16>, vector<1024x128xf32> -> vector<1024x128xf32>
      %get3A_171 = arith.constant 0 : index
      %get3A_172 = arith.constant 0 : index
      %get3A_173 = vector.load %arg20[%get3A_171, %get3A_172] : memref<1x128xf32, #tpu.memory_space<vmem>>, vector<1x128xf32>
      %add3A_174 = vector.broadcast %get3A_173 : vector<1x128xf32> to vector<1024x128xf32>
      %add3A_175 = arith.addf %dot_general3A_170, %add3A_174 : vector<1024x128xf32>
      %reduce_sum3A_176 = arith.constant dense<0.000000e+00> : vector<1024xf32>
      %reduce_sum3A_177 = vector.multi_reduction <add>, %add3A_175, %reduce_sum3A_176 [1] : vector<1024x128xf32> to vector<1024xf32>
      %broadcast_in_dim3A_178 = vector.shape_cast %reduce_sum3A_177 : vector<1024xf32> to vector<1024x1xf32>
      %div3A_179 = arith.constant 1.280000e+02 : f32
      %div3A_180 = vector.broadcast %div3A_179 : f32 to vector<1024x1xf32>
      %div3A_181 = arith.divf %broadcast_in_dim3A_178, %div3A_180 : vector<1024x1xf32>
      %sub3A_182 = vector.broadcast %div3A_181 : vector<1024x1xf32> to vector<1024x128xf32>
      %sub3A_183 = arith.subf %add3A_175, %sub3A_182 : vector<1024x128xf32>
      %square3A_184 = arith.mulf %sub3A_183, %sub3A_183 : vector<1024x128xf32>
      %reduce_sum3A_185 = arith.constant dense<0.000000e+00> : vector<1024xf32>
      %reduce_sum3A_186 = vector.multi_reduction <add>, %square3A_184, %reduce_sum3A_185 [1] : vector<1024x128xf32> to vector<1024xf32>
      %broadcast_in_dim3A_187 = vector.shape_cast %reduce_sum3A_186 : vector<1024xf32> to vector<1024x1xf32>
      %div3A_188 = arith.constant 1.280000e+02 : f32
      %div3A_189 = vector.broadcast %div3A_188 : f32 to vector<1024x1xf32>
      %div3A_190 = arith.divf %broadcast_in_dim3A_187, %div3A_189 : vector<1024x1xf32>
      %sub3A_191 = vector.broadcast %div3A_181 : vector<1024x1xf32> to vector<1024x128xf32>
      %sub3A_192 = arith.subf %add3A_175, %sub3A_191 : vector<1024x128xf32>
      %add3A_193 = arith.constant 9.99999974E-6 : f32
      %add3A_194 = vector.broadcast %add3A_193 : f32 to vector<1024x1xf32>
      %add3A_195 = arith.addf %div3A_190, %add3A_194 : vector<1024x1xf32>
      %rsqrt3A_196 = math.rsqrt %add3A_195 : vector<1024x1xf32>
      %mul3A_197 = vector.broadcast %rsqrt3A_196 : vector<1024x1xf32> to vector<1024x128xf32>
      %mul3A_198 = arith.mulf %sub3A_192, %mul3A_197 : vector<1024x128xf32>
      %get3A_199 = arith.constant 0 : index
      %get3A_200 = arith.constant 0 : index
      %get3A_201 = vector.load %arg21[%get3A_199, %get3A_200] : memref<1x128xf32, #tpu.memory_space<vmem>>, vector<1x128xf32>
      %mul3A_202 = vector.broadcast %get3A_201 : vector<1x128xf32> to vector<1024x128xf32>
      %mul3A_203 = arith.mulf %mul3A_198, %mul3A_202 : vector<1024x128xf32>
      %get3A_204 = arith.constant 0 : index
      %get3A_205 = arith.constant 0 : index
      %get3A_206 = vector.load %arg22[%get3A_204, %get3A_205] : memref<1x128xf32, #tpu.memory_space<vmem>>, vector<1x128xf32>
      %add3A_207 = vector.broadcast %get3A_206 : vector<1x128xf32> to vector<1024x128xf32>
      %add3A_208 = arith.addf %mul3A_203, %add3A_207 : vector<1024x128xf32>
      %add3A_209 = arith.addf %add3A_208, %get3A_125 : vector<1024x128xf32>
      %swap3A = arith.constant 0 : index
      %swap3A_210 = arith.constant 0 : index
      %swap3A_211 = vector.load %arg23[%swap3A, %swap3A_210] : memref<1024x128xf32, #tpu.memory_space<vmem>>, vector<1024x128xf32>
      tpu.vector_store %arg23[%swap3A, %swap3A_210], %add3A_209 {strides = array<i32>} : memref<1024x128xf32, #tpu.memory_space<vmem>>, vector<1024x128xf32>,
    } else {
    }
    return
  }
  func.func @transform_0(%arg0: i32, %arg1: memref<10x2xi32, #tpu.memory_space<smem>>) -> (i32, i32) {
    %c0_i32 = arith.constant 0 : i32
    %c0_i32_0 = arith.constant 0 : i32
    return %arg0, %c0_i32 : i32, i32
  }
  func.func @transform_1(%arg0: i32, %arg1: memref<10x2xi32, #tpu.memory_space<smem>>) -> (i32, i32, i32) {
    %c0_i32 = arith.constant 0 : i32
    %c0_i32_0 = arith.constant 0 : i32
    %c0_i32_1 = arith.constant 0 : i32
    return %arg0, %c0_i32, %c0_i32_0 : i32, i32, i32
  }
  func.func @transform_2(%arg0: i32, %arg1: memref<10x2xi32, #tpu.memory_space<smem>>) -> (i32, i32) {
    %c0_i32 = arith.constant 0 : i32
    %c0_i32_0 = arith.constant 0 : i32
    return %arg0, %c0_i32 : i32, i32
  }
  func.func @transform_3(%arg0: i32, %arg1: memref<10x2xi32, #tpu.memory_space<smem>>) -> (i32, i32) {
    %c0_i32 = arith.constant 0 : i32
    %c0_i32_0 = arith.constant 0 : i32
    %c0_i32_1 = arith.constant 0 : i32
    return %c0_i32, %c0_i32_0 : i32, i32
  }
  func.func @transform_4(%arg0: i32, %arg1: memref<10x2xi32, #tpu.memory_space<smem>>) -> (i32, i32) {
    %c0_i32 = arith.constant 0 : i32
    %c0_i32_0 = arith.constant 0 : i32
    %c0_i32_1 = arith.constant 0 : i32
    return %c0_i32, %c0_i32_0 : i32, i32
  }
  func.func @transform_5(%arg0: i32, %arg1: memref<10x2xi32, #tpu.memory_space<smem>>) -> (i32, i32) {
    %c0_i32 = arith.constant 0 : i32
    %c0_i32_0 = arith.constant 0 : i32
    %c0_i32_1 = arith.constant 0 : i32
    return %c0_i32, %c0_i32_0 : i32, i32
  }
  func.func @transform_6(%arg0: i32, %arg1: memref<10x2xi32, #tpu.memory_space<smem>>) -> (i32, i32) {
    %c0_i32 = arith.constant 0 : i32
    %c0_i32_0 = arith.constant 0 : i32
    %c0_i32_1 = arith.constant 0 : i32
    return %c0_i32, %c0_i32_0 : i32, i32
  }
  func.func @transform_7(%arg0: i32, %arg1: memref<10x2xi32, #tpu.memory_space<smem>>) -> (i32, i32) {
    %c0_i32 = arith.constant 0 : i32
    %c0_i32_0 = arith.constant 0 : i32
    %c0_i32_1 = arith.constant 0 : i32
    return %c0_i32, %c0_i32_0 : i32, i32
  }
  func.func @transform_8(%arg0: i32, %arg1: memref<10x2xi32, #tpu.memory_space<smem>>) -> (i32, i32) {
    %c0_i32 = arith.constant 0 : i32
    %c0_i32_0 = arith.constant 0 : i32
    %c0_i32_1 = arith.constant 0 : i32
    return %c0_i32, %c0_i32_0 : i32, i32
  }
  func.func @transform_9(%arg0: i32, %arg1: memref<10x2xi32, #tpu.memory_space<smem>>) -> (i32, i32) {
    %c0_i32 = arith.constant 0 : i32
    %c0_i32_0 = arith.constant 0 : i32
    %c0_i32_1 = arith.constant 0 : i32
    return %c0_i32, %c0_i32_0 : i32, i32
  }
  func.func @transform_10(%arg0: i32, %arg1: memref<10x2xi32, #tpu.memory_space<smem>>) -> (i32, i32) {
    %c0_i32 = arith.constant 0 : i32
    %c0_i32_0 = arith.constant 0 : i32
    %c0_i32_1 = arith.constant 0 : i32
    return %c0_i32, %c0_i32_0 : i32, i32
  }
  func.func @transform_11(%arg0: i32, %arg1: memref<10x2xi32, #tpu.memory_space<smem>>) -> (i32, i32) {
    %c0_i32 = arith.constant 0 : i32
    %c0_i32_0 = arith.constant 0 : i32
    %c0_i32_1 = arith.constant 0 : i32
    return %c0_i32, %c0_i32_0 : i32, i32
  }
  func.func @transform_12(%arg0: i32, %arg1: memref<10x2xi32, #tpu.memory_space<smem>>) -> (i32, i32) {
    %c0_i32 = arith.constant 0 : i32
    %c0_i32_0 = arith.constant 0 : i32
    %c0_i32_1 = arith.constant 0 : i32
    return %c0_i32, %c0_i32_0 : i32, i32
  }
  func.func @transform_13(%arg0: i32, %arg1: memref<10x2xi32, #tpu.memory_space<smem>>) -> (i32, i32) {
    %c0_i32 = arith.constant 0 : i32
    %c0_i32_0 = arith.constant 0 : i32
    %c0_i32_1 = arith.constant 0 : i32
    return %c0_i32, %c0_i32_0 : i32, i32
  }
  func.func @transform_14(%arg0: i32, %arg1: memref<10x2xi32, #tpu.memory_space<smem>>) -> (i32, i32) {
    %c0_i32 = arith.constant 0 : i32
    %c0_i32_0 = arith.constant 0 : i32
    %c0_i32_1 = arith.constant 0 : i32
    return %c0_i32, %c0_i32_0 : i32, i32
  }
  func.func @transform_15(%arg0: i32, %arg1: memref<10x2xi32, #tpu.memory_space<smem>>) -> (i32, i32) {
    %c0_i32 = arith.constant 0 : i32
    %c0_i32_0 = arith.constant 0 : i32
    %c0_i32_1 = arith.constant 0 : i32
    return %c0_i32, %c0_i32_0 : i32, i32
  }
  func.func @transform_16(%arg0: i32, %arg1: memref<10x2xi32, #tpu.memory_space<smem>>) -> (i32, i32) {
    %c0_i32 = arith.constant 0 : i32
    %c0_i32_0 = arith.constant 0 : i32
    %c0_i32_1 = arith.constant 0 : i32
    return %c0_i32, %c0_i32_0 : i32, i32
  }
  func.func @transform_17(%arg0: i32, %arg1: memref<10x2xi32, #tpu.memory_space<smem>>) -> (i32, i32) {
    %c0_i32 = arith.constant 0 : i32
    %c0_i32_0 = arith.constant 0 : i32
    %c0_i32_1 = arith.constant 0 : i32
    return %c0_i32, %c0_i32_0 : i32, i32
  }
  func.func @transform_18(%arg0: i32, %arg1: memref<10x2xi32, #tpu.memory_space<smem>>) -> (i32, i32) {
    %c0_i32 = arith.constant 0 : i32
    %c0_i32_0 = arith.constant 0 : i32
    %c0_i32_1 = arith.constant 0 : i32
    return %c0_i32, %c0_i32_0 : i32, i32
  }
  func.func @transform_19(%arg0: i32, %arg1: memref<10x2xi32, #tpu.memory_space<smem>>) -> (i32, i32) {
    %c0_i32 = arith.constant 0 : i32
    %c0_i32_0 = arith.constant 0 : i32
    %c0_i32_1 = arith.constant 0 : i32
    return %c0_i32, %c0_i32_0 : i32, i32
  }
  func.func @transform_20(%arg0: i32, %arg1: memref<10x2xi32, #tpu.memory_space<smem>>) -> (i32, i32) {
    %c0_i32 = arith.constant 0 : i32
    %c0_i32_0 = arith.constant 0 : i32
    %c0_i32_1 = arith.constant 0 : i32
    return %c0_i32, %c0_i32_0 : i32, i32
  }
  func.func @transform_21(%arg0: i32, %arg1: memref<10x2xi32, #tpu.memory_space<smem>>) -> (i32, i32) {
    %c0_i32 = arith.constant 0 : i32
    %c0_i32_0 = arith.constant 0 : i32
    %c0_i32_1 = arith.constant 0 : i32
    return %c0_i32, %c0_i32_0 : i32, i32
  }
}

</mosaic_0001>

<sc_bundles>
// kernel: kernel.5.cloned.1.call-start
scs
__scs_entry_jumppad:
0x0: {  	(pc) =	sbr.rel $0x88, $3  }
0x1: {  	(tag) =	ssettag $0x0;
	lr =	simm.s32 $0x1  }
0x2: {  	[smem:$0x3F8E] =	sst lr;
	_ =	strace $0xD0000000  }
0x3: {  	_ = 	snop  }
0x4: {  	_ = 	snop  }
0x5: {  	_ = 	snop  }
0x6: {  	_ = 	snop  }
0x7: {  	_ = 	snop  }
__scs_overlays_trampoline_lowered:
0x8: {  	[smem:$0x3F9D] =	sst s0  }
0x9: {  	[smem:$0x3F9E] =	sst s1  }
0xa: {  	[smem:$0x3F9F] =	sst s2  }
0xb: {  	[smem:$0x3FA0] =	sst s3  }
0xc: {  	[smem:$0x3FA1] =	sst s4  }
0xd: {  	[smem:$0x3FA2] =	sst s5  }
0xe: {  	[smem:$0x3FA3] =	sst s6  }
0xf: {  	[smem:$0x3FA4] =	sst s7  }
0x10: {  	[smem:$0x3FA5] =	sst s8  }
0x11: {  	[smem:$0x3FA6] =	sst s9;
	s0 =	simm.s32 @!p0 $0x0  }
0x12: {  	s1 =	sld [smem:$0x3F8C];
	s0 =	simm.s32 @p0 $0x1  }
0x13: {  	[smem:$0x3FA7] =	sst s0;
	s0 =	simm.s32 @!p1 $0x0  }
0x14: {  	s2 =	sld [smem:$0x3F8B];
	s0 =	simm.s32 @p1 $0x1  }
0x15: {  	[smem:$0x3FA8] =	sst s0;
	s0 =	simm.s32 @!p2 $0x0  }
0x16: {  	s3 =	sld [smem:$0x3FDB];
	s0 =	simm.s32 @p2 $0x1  }
0x17: {  	s4 =	simm.s32 $0x1BF5;
	[smem:$0x3FAA] =	sst s0  }
0x18: {  	s0 =	sld [smem:$0x3F8D];
	_ =	swait.ge [sflag:s4], $0x0  }
0x19: {  	s7 =	sld [smem:$0x3F8E]  }
0x1a: {  	s8 =	sadd.s32 $0xFFFFE003, lr  }
0x1b: {  	s9 =	sadd.s32 $0xFFFFFEF7, lr;
	s5 =	simm.s32 $0xFFFFFFFF;
	p2 =	slt.u32 s8, $0xFFFFF086  }
0x1c: {  	p1 =	slt.u32 s9, $0xF7A;
	s5 =	simm.s32 @!p2 $0x0  }
0x1d: {  	s5 =	simm.s32 @p1 $0x1;
	p0 =	seq.s32 s7, s2  }
0x1e: {  	s7 =	smul.u32 @!p0 $0xF7A, s2;
	p2 =	seq.s32 @!p0 s5, $0x0  }
0x1f: {  	s9 =	smul.u32 $0xF7A, s1;
	s8 =	simm.s32 @!p0 $0x1BF5;
	p2 =	por !p2, p0  }
0x20: {  	[sflag:s8] =	ssyncset.s32 @!p0 $0xFFFFF086;
	s6 =	sadd.s32 @!p0 s3, s7;
	s7 =	simm.s32 @!p0 $0x108  }
0x21: {  	s3 =	sadd.s32 s3, s9;
	s6 =	sadd.s32 @!p0 $0x88, s6;
	s7 =	simm.s32 @p2 $0x1082  }
0x22: {  	[simem:s7], [sflag:s8] =	dma.local @!p0 [hbm:s6], $0xF7A  }
0x23: {  	s9 =	sor.u32 $0xD0000000, s2;
	s6 =	simm.s32 $0x108;
	_ =	swait.ge @!p0 [sflag:s8], $0x0  }
0x24: {  	s3 =	sadd.s32 $0x88, s3;
	s6 =	simm.s32 @!p1 $0x1082;
	[sflag:s4] =	ssyncset.s32 $0xFFFFF086  }
0x25: {  	[simem:s6], [sflag:s4] =	dma.local [hbm:s3], $0xF7A  }
0x26: {  	[smem:$0x3F8E] =	sst s1;
	(tag) =	ssettag s2;
	_ =	strace s9  }
0x27: {  	s1 =	sld [smem:$0x3F9E]  }
0x28: {  	s2 =	sld [smem:$0x3F9F]  }
0x29: {  	s4 =	sld [smem:$0x3FA1]  }
0x2a: {  	p0 =	seq.s32 s5, $0x0;
	s5 =	sld [smem:$0x3FA2]  }
0x2b: {  	s6 =	sld [smem:$0x3FA3]  }
0x2c: {  	s7 =	sld [smem:$0x3FA4]  }
0x2d: {  	s3 =	simm.s32 $0x108;
	s8 =	sld [smem:$0x3FA5]  }
0x2e: {  	s3 =	simm.s32 @!p0 $0x1082;
	s9 =	sld [smem:$0x3FA6]  }
0x2f: {  	lr =	sadd.s32 s0, s3;
	s0 =	sld [smem:$0x3F9D]  }
0x30: {  	s3 =	sld [smem:$0x3FA0]  }
0x31: {  	[smem:$0x3FA9] =	sst s10  }
0x32: {  	s10 =	sld [smem:$0x3FA7];
	_ =	sdelay $0x3  }
0x33: {  	p0 =	seq.s32 s10, $0x1;
	s10 =	sld [smem:$0x3FA9];
	_ =	sdelay $0x3  }
0x34: {  	[smem:$0x3FA9] =	sst s10  }
0x35: {  	s10 =	sld [smem:$0x3FA8];
	_ =	sdelay $0x3  }
0x36: {  	p1 =	seq.s32 s10, $0x1;
	s10 =	sld [smem:$0x3FA9];
	_ =	sdelay $0x3  }
0x37: {  	[smem:$0x3FA9] =	sst s10  }
0x38: {  	s10 =	sld [smem:$0x3FAA]  }
0x39: {  	_ = 	snop;
	(pc) =	sbr.ind lr, $3  }
0x3a: {  	_ = 	snop  }
0x3b: {  	_ = 	snop  }
0x3c: {  	p2 =	seq.s32 s10, $0x1;
	s10 =	sld [smem:$0x3FA9]  }
0x3d: {  	_ =	shalt  }
0x3e: {  	_ =	shalt  }
0x3f: {  	_ =	shalt  }
0x40: {  	_ =	shalt  }
0x41: {  	_ =	shalt  }
0x42: {  	_ =	shalt  }
0x43: {  	_ =	shalt  }
0x44: {  	_ =	shalt  }
0x45: {  	_ =	shalt  }
0x46: {  	_ =	shalt  }
0x47: {  	_ =	shalt  }
0x48: {  	_ =	shalt  }
0x49: {  	_ =	shalt  }
0x4a: {  	_ =	shalt  }
0x4b: {  	_ =	shalt  }
0x4c: {  	_ =	shalt  }
0x4d: {  	_ =	shalt  }
0x4e: {  	_ =	shalt  }
0x4f: {  	_ =	shalt  }
0x50: {  	_ =	shalt  }
0x51: {  	_ =	shalt  }
0x52: {  	_ =	shalt  }
0x53: {  	_ =	shalt  }
0x54: {  	_ =	shalt  }
0x55: {  	_ =	shalt  }
0x56: {  	_ =	shalt  }
0x57: {  	_ =	shalt  }
0x58: {  	_ =	shalt  }
0x59: {  	_ =	shalt  }
0x5a: {  	_ =	shalt  }
0x5b: {  	_ =	shalt  }
0x5c: {  	_ =	shalt  }
0x5d: {  	_ =	shalt  }
0x5e: {  	_ =	shalt  }
0x5f: {  	_ =	shalt  }
0x60: {  	_ =	shalt  }
0x61: {  	_ =	shalt  }
0x62: {  	_ =	shalt  }
0x63: {  	_ =	shalt  }
0x64: {  	_ =	shalt  }
0x65: {  	_ =	shalt  }
0x66: {  	_ =	shalt  }
0x67: {  	_ =	shalt  }
0x68: {  	_ =	shalt  }
0x69: {  	_ =	shalt  }
0x6a: {  	_ =	shalt  }
0x6b: {  	_ =	shalt  }
0x6c: {  	_ =	shalt  }
0x6d: {  	_ =	shalt  }
0x6e: {  	_ =	shalt  }
0x6f: {  	_ =	shalt  }
0x70: {  	_ =	shalt  }
0x71: {  	_ =	shalt  }
0x72: {  	_ =	shalt  }
0x73: {  	_ =	shalt  }
0x74: {  	_ =	shalt  }
0x75: {  	_ =	shalt  }
0x76: {  	_ =	shalt  }
0x77: {  	_ =	shalt  }
0x78: {  	_ =	shalt  }
0x79: {  	_ =	shalt  }
0x7a: {  	_ =	shalt  }
0x7b: {  	_ =	shalt  }
0x7c: {  	_ =	shalt  }
0x7d: {  	_ =	shalt  }
0x7e: {  	_ =	shalt  }
0x7f: {  	_ =	shalt  }
0x80: {  	_ =	shalt  }
0x81: {  	_ =	shalt  }
0x82: {  	_ =	shalt  }
0x83: {  	_ =	shalt  }
0x84: {  	_ =	shalt  }
0x85: {  	_ =	shalt  }
0x86: {  	_ =	shalt  }
0x87: {  	_ =	shalt  }
.Lfunc_end0:
.L_simem_size_0:
called_computation_lowered:
.L_overlay_start_0:
0x88: {  	s2 =	sld [smem:$0x3FD9]  }
0x89: {  	s3 =	sld [smem:$0x3FFE];
	_ =	sdelay $0x1  }
0x8a: {  	s1 =	srdreg.scid  }
0x8b: {  	s0 =	sand.u32 $0x1, s1  }
0x8c: {  	s17 =	sshll.u32 s0, $0xA;
	s2 =	sadd.s32 s3, s2  }
0x8d: {  	s2 =	sadd.s32 s2, s17  }
0x8e: {  	[smem:$0x3FB5] =	sst s2  }
0x8f: {  	_ = 	snop  }
0x90: {  	s2 =	sld [smem:$0x3FD0];
	(tm) =	ssettm $0x1  }
0x91: {  	s18 =	sld [smem:$0x3FFB];
	_ =	sdelay $0x3  }
0x92: {  	_ =	strace s18  }
0x93: {  	s3 =	sld [smem:$0x3FFC];
	_ =	sdelay $0x3  }
0x94: {  	_ =	strace s3  }
0x95: {  	s3 =	sld [smem:$0x3FFD];
	_ =	sdelay $0x3  }
0x96: {  	_ =	strace s3  }
0x97: {  	_ =	strace $0x8FFFFFFF  }
0x98: {  	s19 =	sld [smem:$0x3FDB];
	_ =	sdelay $0x1  }
0x99: {  	s4 =	simm.s32 $_scs_section_size  }
0x9a: {  	s5 =	simm.s32 $_size__tile_overlayer_lowered;
	s6 =	simm.s32 $_tile_overlayer_lowered  }
0x9b: {  	s22 =	simm.s32 $0x1BFF;
	s21 =	sshll.u32 s6, $0x1;
	s3 =	sadd.s32 s4, s19  }
0x9c: {  	s7 =	simm.s32 $0x0;
	s20 =	sshll.u32 s5, $0x1;
	s5 =	sadd.s32 s21, s3  }
0x9d: {  	[timem:s7], [sflag:s22] =	dma.local [hbm:s5], s20  }
0x9e: {  	_ =	swait.ge [sflag:s22], s20  }
0x9f: {  	s4 =	ssub.s32 $0x0, s20;
	[sflag:s22] =	ssyncset.done $0x0  }
0xa0: {  	[sflag:s22] =	ssyncadd.s32 s4;
	_ =	sdelay $0x1  }
0xa1: {  	s23 =	simm.s32 $0x1B8B  }
0xa2: {  	_ =	swait.ge [sflag:s23], $0x1  }
0xa3: {  	[sflag:s23] =	ssyncset.done $0x0  }
0xa4: {  	s25 =	simm.s32 $0x1B8E;
	s24 =	sld [smem:$0x3FFE];
	[sflag:s23] =	ssyncadd.s32 $0xFFFFFFFF  }
0xa5: {  	s26 =	simm.s32 $execute0_lowered;
	[smem:$0x3FD2] =	sst s25  }
0xa6: {  	s5 =	sshll.u32 s26, $0x1;
	_ =	strace $0x80000046;
	[dreg:$0x1] =	wrdreg $0xFFFFFFFF  }
0xa7: {  	s28 =	simm.s32 $_size_execute0_lowered;
	s3 =	sadd.s32 s3, s5;
	[dreg:$0x0] =	wrdreg $0x0  }
0xa8: {  	s5 =	sshll.u32 s28, $0x1;
	[dreg:$0x2] =	wrdreg s3  }
0xa9: {  	[dreg:$0x3] =	wrdreg s5  }
0xaa: {  	[dreg:$0x4] =	wrdreg $0xC0  }
0xab: {  	_ =	task [dreg:s7], $0x5FFFF  }
0xac: {  	[dreg:$0x1] =	wrdreg $0xFFFFFFFF  }
0xad: {  	[dreg:$0x0] =	wrdreg $0x60  }
0xae: {  	[dreg:$0x2] =	wrdreg s2  }
0xaf: {  	[dreg:$0x3] =	wrdreg s24  }
0xb0: {  	[dreg:$0x4] =	wrdreg $0x9  }
0xb1: {  	_ =	task.clear_ibuf [dreg:s7], $0x5FFFF;
	_ =	strace $0x90000046  }
0xb2: {  	s29 =	simm.s32 $0x9;
	_ =	strace $0x80000048  }
0xb3: {  	_ =	swait.ge [sflag:s29], $0x1  }
0xb4: {  	[sflag:s29] =	ssyncadd.s32 $0xFFFFFFFF  }
0xb5: {  	_ =	strace $0x90000048  }
0xb6: {  	_ =	sfence  }
0xb7: {  	s30 =	sld [smem:$0x0];
	_ =	sdelay $0x2  }
0xb8: {  	s31 =	sshll.u32 s1, $0xD;
	s1 =	sshrl.u32 s1, $0x2  }
0xb9: {  	s3 =	sand.u32 $0x4000, s31;
	s1 =	sadd.s32 s1, s30  }
0xba: {  	s0 =	sor.u32 s3, s0;
	s1 =	sshll.u32 s1, $0x11  }
0xbb: {  	s0 =	sor.u32 s1, s0  }
0xbc: {  	s0 =	sadd.s32 $0x8F2B, s0  }
0xbd: {  	[sflag:s0] =	ssyncadd.remote.s32 $0x1  }
0xbe: {  	_ =	sfence.sel $0xFFFF  }
0xbf: {  	[dreg:$0x0] =	wrdreg $0xFFFFFFFF;
	(pc) =	sbr.abs _section_cstart, $3  }
0xc0: {  	[dreg:$0x1] =	wrdreg $0xFFFFFFFF  }
0xc1: {  	_ =	task.clear_ibuf [dreg:s7], $0x2FFFF;
	_ =	strace $0x9FFFFFFF  }
0xc2: {  	(tm) =	ssettm $0x7FFFFFFF  }
0xc3: {  	_ =	shalt  }
tec
execute0_lowered:
.L_overlay_start_1:
0x0: {  	(tag) =	ssettag $0x1  }
0x1: {  	s1 =	srdreg.scid;
	s0 =	stileid.u32  }
0x2: {  	s23 =	sand.u32 $0x1, s1;
	s26 =	sshll.u32 s0, $0x1  }
0x3: {  	s2 =	rddreg [dreg:$0x0];
	s9 =	sor.u32 s23, s26  }
0x4: {  	s10 =	rddreg [dreg:$0x1];
	s24 =	smul.u32 $0xC40, s9  }
0x5: {  	s3 =	simm.s32 $0x0;
	s1 =	rddreg [dreg:$0x2]  }
0x6: {  	[smem:$0x7FF] =	sst s3;
	s22 =	sadd.s32 $0x2C00, s10;
	s4 =	sshrl.u32 s24, $0x3  }
0x7: {  	_ =	strace $0x80000047;
	s5 =	sadd.s32 s22, s4;
	s4 =	simm.s32 $0x2  }
0x8: {  	[tilespmem:s3], [sflag:$0x2] =	stream.linear.gather [hbm4b:s5+s3], $0x188, $0x38;
	[tilespmem:$0xC600] =	vst v63  }
0x9: {  	_ =	swait.ge [sflag:s4], $0x188  }
0xa: {  	s6 =	simm.s32 $0x188;
	[sflag:s4] =	ssyncset.done $0x0  }
0xb: {  	s7 =	simm.s32 $0x200;
	s8 =	simm.s32 $0x1;
	[sflag:s4] =	ssyncadd.s32 $0xFFFFFE78  }
0xc: {  	[tilespmem:s7], [sflag:$0x1] =	stream.indirect.gather [hbm4b:s2+s6], $0x80, s3, s6, $0xb8;
	[tilespmem:$0xC600] =	vst v63  }
0xd: {  	s9 =	smul.u32 $0xC400, s9;
	_ =	swait.ge [sflag:s8], $0xC400  }
0xe: {  	s25 =	sadd.s32 $0x5E00, s10;
	[sflag:s8] =	ssyncset.done $0x0  }
0xf: {  	s9 =	sadd.s32 s25, s9;
	[sflag:s8] =	ssyncadd.s32 $0xFFFF3C00  }
0x10: {  	[hbm4b:s9+s3] =	stream.linear.scatter [tilespmem:s7], [sflag:$0x2], $0xC400, $0x38;
	[tilespmem:$0xC600] =	vst v63  }
0x11: {  	s11 =	sadd.s32 $0x188, s24;
	_ =	swait.ge [sflag:s4], $0xC400  }
0x12: {  	s28 =	sshrl.u32 s11, $0x3;
	[sflag:s4] =	ssyncset.done $0x0  }
0x13: {  	s10 =	sadd.s32 s22, s28;
	[sflag:s4] =	ssyncadd.s32 $0xFFFF3C00  }
0x14: {  	[tilespmem:s3], [sflag:$0x2] =	stream.linear.gather [hbm4b:s10+s3], $0x188, $0x38;
	[tilespmem:$0xC600] =	vst v63  }
0x15: {  	_ =	swait.ge [sflag:s4], $0x188  }
0x16: {  	[sflag:s4] =	ssyncset.done $0x0  }
0x17: {  	[sflag:s4] =	ssyncadd.s32 $0xFFFFFE78  }
0x18: {  	[tilespmem:s7], [sflag:$0x1] =	stream.indirect.gather [hbm4b:s2+s6], $0x80, s3, s6, $0xb8;
	[tilespmem:$0xC600] =	vst v63  }
0x19: {  	_ =	swait.ge [sflag:s8], $0xC400  }
0x1a: {  	s11 =	sshll.u32 s11, $0x4;
	[sflag:s8] =	ssyncset.done $0x0  }
0x1b: {  	s11 =	sadd.s32 s25, s11;
	[sflag:s8] =	ssyncadd.s32 $0xFFFF3C00  }
0x1c: {  	[hbm4b:s11+s3] =	stream.linear.scatter [tilespmem:s7], [sflag:$0x2], $0xC400, $0x38;
	[tilespmem:$0xC600] =	vst v63  }
0x1d: {  	s13 =	sadd.s32 $0x310, s24;
	_ =	swait.ge [sflag:s4], $0xC400  }
0x1e: {  	s12 =	sshrl.u32 s13, $0x3;
	[sflag:s4] =	ssyncset.done $0x0  }
0x1f: {  	s12 =	sadd.s32 s22, s12;
	[sflag:s4] =	ssyncadd.s32 $0xFFFF3C00  }
0x20: {  	[tilespmem:s3], [sflag:$0x2] =	stream.linear.gather [hbm4b:s12+s3], $0x188, $0x38;
	[tilespmem:$0xC600] =	vst v63  }
0x21: {  	_ =	swait.ge [sflag:s4], $0x188  }
0x22: {  	[sflag:s4] =	ssyncset.done $0x0  }
0x23: {  	[sflag:s4] =	ssyncadd.s32 $0xFFFFFE78  }
0x24: {  	[tilespmem:s7], [sflag:$0x1] =	stream.indirect.gather [hbm4b:s2+s6], $0x80, s3, s6, $0xb8;
	[tilespmem:$0xC600] =	vst v63  }
0x25: {  	_ =	swait.ge [sflag:s8], $0xC400  }
0x26: {  	s13 =	sshll.u32 s13, $0x4;
	[sflag:s8] =	ssyncset.done $0x0  }
0x27: {  	s13 =	sadd.s32 s25, s13;
	[sflag:s8] =	ssyncadd.s32 $0xFFFF3C00  }
0x28: {  	[hbm4b:s13+s3] =	stream.linear.scatter [tilespmem:s7], [sflag:$0x2], $0xC400, $0x38;
	[tilespmem:$0xC600] =	vst v63  }
0x29: {  	s15 =	sadd.s32 $0x498, s24;
	_ =	swait.ge [sflag:s4], $0xC400  }
0x2a: {  	s14 =	sshrl.u32 s15, $0x3;
	[sflag:s4] =	ssyncset.done $0x0  }
0x2b: {  	s14 =	sadd.s32 s22, s14;
	[sflag:s4] =	ssyncadd.s32 $0xFFFF3C00  }
0x2c: {  	[tilespmem:s3], [sflag:$0x2] =	stream.linear.gather [hbm4b:s14+s3], $0x188, $0x38;
	[tilespmem:$0xC600] =	vst v63  }
0x2d: {  	_ =	swait.ge [sflag:s4], $0x188  }
0x2e: {  	[sflag:s4] =	ssyncset.done $0x0  }
0x2f: {  	[sflag:s4] =	ssyncadd.s32 $0xFFFFFE78  }
0x30: {  	[tilespmem:s7], [sflag:$0x1] =	stream.indirect.gather [hbm4b:s2+s6], $0x80, s3, s6, $0xb8;
	[tilespmem:$0xC600] =	vst v63  }
0x31: {  	_ =	swait.ge [sflag:s8], $0xC400  }
0x32: {  	s15 =	sshll.u32 s15, $0x4;
	[sflag:s8] =	ssyncset.done $0x0  }
0x33: {  	s15 =	sadd.s32 s25, s15;
	[sflag:s8] =	ssyncadd.s32 $0xFFFF3C00  }
0x34: {  	[hbm4b:s15+s3] =	stream.linear.scatter [tilespmem:s7], [sflag:$0x2], $0xC400, $0x38;
	[tilespmem:$0xC600] =	vst v63  }
0x35: {  	s17 =	sadd.s32 $0x620, s24;
	_ =	swait.ge [sflag:s4], $0xC400  }
0x36: {  	s16 =	sshrl.u32 s17, $0x3;
	[sflag:s4] =	ssyncset.done $0x0  }
0x37: {  	s16 =	sadd.s32 s22, s16;
	[sflag:s4] =	ssyncadd.s32 $0xFFFF3C00  }
0x38: {  	[tilespmem:s3], [sflag:$0x2] =	stream.linear.gather [hbm4b:s16+s3], $0x188, $0x38;
	[tilespmem:$0xC600] =	vst v63  }
0x39: {  	_ =	swait.ge [sflag:s4], $0x188  }
0x3a: {  	[sflag:s4] =	ssyncset.done $0x0  }
0x3b: {  	[sflag:s4] =	ssyncadd.s32 $0xFFFFFE78  }
0x3c: {  	[tilespmem:s7], [sflag:$0x1] =	stream.indirect.gather [hbm4b:s2+s6], $0x80, s3, s6, $0xb8;
	[tilespmem:$0xC600] =	vst v63  }
0x3d: {  	_ =	swait.ge [sflag:s8], $0xC400  }
0x3e: {  	s17 =	sshll.u32 s17, $0x4;
	[sflag:s8] =	ssyncset.done $0x0  }
0x3f: {  	s17 =	sadd.s32 s25, s17;
	[sflag:s8] =	ssyncadd.s32 $0xFFFF3C00  }
0x40: {  	[hbm4b:s17+s3] =	stream.linear.scatter [tilespmem:s7], [sflag:$0x2], $0xC400, $0x38;
	[tilespmem:$0xC600] =	vst v63  }
0x41: {  	s19 =	sadd.s32 $0x7A8, s24;
	_ =	swait.ge [sflag:s4], $0xC400  }
0x42: {  	s18 =	sshrl.u32 s19, $0x3;
	[sflag:s4] =	ssyncset.done $0x0  }
0x43: {  	s18 =	sadd.s32 s22, s18;
	[sflag:s4] =	ssyncadd.s32 $0xFFFF3C00  }
0x44: {  	[tilespmem:s3], [sflag:$0x2] =	stream.linear.gather [hbm4b:s18+s3], $0x188, $0x38;
	[tilespmem:$0xC600] =	vst v63  }
0x45: {  	_ =	swait.ge [sflag:s4], $0x188  }
0x46: {  	[sflag:s4] =	ssyncset.done $0x0  }
0x47: {  	[sflag:s4] =	ssyncadd.s32 $0xFFFFFE78  }
0x48: {  	[tilespmem:s7], [sflag:$0x1] =	stream.indirect.gather [hbm4b:s2+s6], $0x80, s3, s6, $0xb8;
	[tilespmem:$0xC600] =	vst v63  }
0x49: {  	_ =	swait.ge [sflag:s8], $0xC400  }
0x4a: {  	s19 =	sshll.u32 s19, $0x4;
	[sflag:s8] =	ssyncset.done $0x0  }
0x4b: {  	s19 =	sadd.s32 s25, s19;
	[sflag:s8] =	ssyncadd.s32 $0xFFFF3C00  }
0x4c: {  	[hbm4b:s19+s3] =	stream.linear.scatter [tilespmem:s7], [sflag:$0x2], $0xC400, $0x38;
	[tilespmem:$0xC600] =	vst v63  }
0x4d: {  	s21 =	sadd.s32 $0x930, s24;
	_ =	swait.ge [sflag:s4], $0xC400  }
0x4e: {  	s20 =	sshrl.u32 s21, $0x3;
	[sflag:s4] =	ssyncset.done $0x0  }
0x4f: {  	s20 =	sadd.s32 s22, s20;
	[sflag:s4] =	ssyncadd.s32 $0xFFFF3C00  }
0x50: {  	[tilespmem:s3], [sflag:$0x2] =	stream.linear.gather [hbm4b:s20+s3], $0x188, $0x38;
	[tilespmem:$0xC600] =	vst v63  }
0x51: {  	_ =	swait.ge [sflag:s4], $0x188  }
0x52: {  	[sflag:s4] =	ssyncset.done $0x0  }
0x53: {  	[sflag:s4] =	ssyncadd.s32 $0xFFFFFE78  }
0x54: {  	[tilespmem:s7], [sflag:$0x1] =	stream.indirect.gather [hbm4b:s2+s6], $0x80, s3, s6, $0xb8;
	[tilespmem:$0xC600] =	vst v63  }
0x55: {  	_ =	swait.ge [sflag:s8], $0xC400  }
0x56: {  	s21 =	sshll.u32 s21, $0x4;
	[sflag:s8] =	ssyncset.done $0x0  }
0x57: {  	s21 =	sadd.s32 s25, s21;
	[sflag:s8] =	ssyncadd.s32 $0xFFFF3C00  }
0x58: {  	[hbm4b:s21+s3] =	stream.linear.scatter [tilespmem:s7], [sflag:$0x2], $0xC400, $0x38;
	[tilespmem:$0xC600] =	vst v63  }
0x59: {  	s24 =	sadd.s32 $0xAB8, s24;
	_ =	swait.ge [sflag:s4], $0xC400  }
0x5a: {  	s26 =	sshrl.u32 s24, $0x3;
	[sflag:s4] =	ssyncset.done $0x0  }
0x5b: {  	s23 =	ssub.s32 $0x2, s23;
	s22 =	sadd.s32 s22, s26;
	[sflag:s4] =	ssyncadd.s32 $0xFFFF3C00  }
0x5c: {  	[tilespmem:s3], [sflag:$0x2] =	stream.linear.gather [hbm4b:s22+s3], $0x188, $0x38;
	[tilespmem:$0xC600] =	vst v63  }
0x5d: {  	s29 =	sshrl.u32 s23, $0x1;
	_ =	swait.ge [sflag:s4], $0x188  }
0x5e: {  	s26 =	ssub.s32 s23, s29;
	[sflag:s4] =	ssyncset.done $0x0  }
0x5f: {  	s31 =	smax.u32 s26, $0x1;
	[sflag:s4] =	ssyncadd.s32 $0xFFFFFE78  }
0x60: {  	[tilespmem:s7], [sflag:$0x1] =	stream.indirect.gather [hbm4b:s2+s6], $0x80, s3, s6, $0xb8;
	[tilespmem:$0xC600] =	vst v63  }
0x61: {  	p0 =	sne.s32 s31, $0x1;
	_ =	swait.ge [sflag:s8], $0xC400  }
.Ltmp0:
0x62: {  	s30 =	sshll.u32 s24, $0x4;
	[sflag:s8] =	ssyncset.done $0x0;
	(pc) =	sbr.rel @!p0 .LBB2_2-.Ltmp0, $4  }
0x63: {  	s23 =	sadd.s32 s25, s30;
	[sflag:s8] =	ssyncadd.s32 $0xFFFF3C00  }
0x64: {  	[hbm4b:s23+s3] =	stream.linear.scatter [tilespmem:s7], [sflag:$0x2], $0xC400, $0x38;
	[tilespmem:$0xC600] =	vst v63  }
0x65: {  	_ =	swait.ge [sflag:s4], $0xC400  }
0x66: {  	s24 =	sadd.s32 $0xFFFFFFFF, s31;
	[sflag:s4] =	ssyncset.done $0x0  }
.LBB2_1:
0x67: {  	p0 =	sne.s32 s24, $0x1;
	s24 =	sadd.s32 $0xFFFFFFFF, s24;
	[sflag:s4] =	ssyncadd.s32 $0xFFFF3C00  }
0x68: {  	[tilespmem:s3], [sflag:$0x2] =	stream.linear.gather [hbm4b:s5+s3], $0x188, $0x38;
	[tilespmem:$0xC600] =	vst v63  }
0x69: {  	_ =	swait.ge [sflag:s4], $0x188  }
0x6a: {  	[sflag:s4] =	ssyncset.done $0x0  }
0x6b: {  	[sflag:s4] =	ssyncadd.s32 $0xFFFFFE78  }
0x6c: {  	[tilespmem:s7], [sflag:$0x1] =	stream.indirect.gather [hbm4b:s2+s6], $0x80, s3, s6, $0xb8;
	[tilespmem:$0xC600] =	vst v63  }
0x6d: {  	_ =	swait.ge [sflag:s8], $0xC400  }
0x6e: {  	[sflag:s8] =	ssyncset.done $0x0  }
0x6f: {  	[sflag:s8] =	ssyncadd.s32 $0xFFFF3C00  }
0x70: {  	[hbm4b:s9+s3] =	stream.linear.scatter [tilespmem:s7], [sflag:$0x2], $0xC400, $0x38;
	[tilespmem:$0xC600] =	vst v63  }
0x71: {  	_ =	swait.ge [sflag:s4], $0xC400  }
0x72: {  	[sflag:s4] =	ssyncset.done $0x0  }
0x73: {  	[sflag:s4] =	ssyncadd.s32 $0xFFFF3C00  }
0x74: {  	[tilespmem:s3], [sflag:$0x2] =	stream.linear.gather [hbm4b:s10+s3], $0x188, $0x38;
	[tilespmem:$0xC600] =	vst v63  }
0x75: {  	_ =	swait.ge [sflag:s4], $0x188  }
0x76: {  	[sflag:s4] =	ssyncset.done $0x0  }
0x77: {  	[sflag:s4] =	ssyncadd.s32 $0xFFFFFE78  }
0x78: {  	[tilespmem:s7], [sflag:$0x1] =	stream.indirect.gather [hbm4b:s2+s6], $0x80, s3, s6, $0xb8;
	[tilespmem:$0xC600] =	vst v63  }
0x79: {  	_ =	swait.ge [sflag:s8], $0xC400  }
0x7a: {  	[sflag:s8] =	ssyncset.done $0x0  }
0x7b: {  	[sflag:s8] =	ssyncadd.s32 $0xFFFF3C00  }
0x7c: {  	[hbm4b:s11+s3] =	stream.linear.scatter [tilespmem:s7], [sflag:$0x2], $0xC400, $0x38;
	[tilespmem:$0xC600] =	vst v63  }
0x7d: {  	_ =	swait.ge [sflag:s4], $0xC400  }
0x7e: {  	[sflag:s4] =	ssyncset.done $0x0  }
0x7f: {  	[sflag:s4] =	ssyncadd.s32 $0xFFFF3C00  }
0x80: {  	[tilespmem:s3], [sflag:$0x2] =	stream.linear.gather [hbm4b:s12+s3], $0x188, $0x38;
	[tilespmem:$0xC600] =	vst v63  }
0x81: {  	_ =	swait.ge [sflag:s4], $0x188  }
0x82: {  	[sflag:s4] =	ssyncset.done $0x0  }
0x83: {  	[sflag:s4] =	ssyncadd.s32 $0xFFFFFE78  }
0x84: {  	[tilespmem:s7], [sflag:$0x1] =	stream.indirect.gather [hbm4b:s2+s6], $0x80, s3, s6, $0xb8;
	[tilespmem:$0xC600] =	vst v63  }
0x85: {  	_ =	swait.ge [sflag:s8], $0xC400  }
0x86: {  	[sflag:s8] =	ssyncset.done $0x0  }
0x87: {  	[sflag:s8] =	ssyncadd.s32 $0xFFFF3C00  }
0x88: {  	[hbm4b:s13+s3] =	stream.linear.scatter [tilespmem:s7], [sflag:$0x2], $0xC400, $0x38;
	[tilespmem:$0xC600] =	vst v63  }
0x89: {  	_ =	swait.ge [sflag:s4], $0xC400  }
0x8a: {  	[sflag:s4] =	ssyncset.done $0x0  }
0x8b: {  	[sflag:s4] =	ssyncadd.s32 $0xFFFF3C00  }
0x8c: {  	[tilespmem:s3], [sflag:$0x2] =	stream.linear.gather [hbm4b:s14+s3], $0x188, $0x38;
	[tilespmem:$0xC600] =	vst v63  }
0x8d: {  	_ =	swait.ge [sflag:s4], $0x188  }
0x8e: {  	[sflag:s4] =	ssyncset.done $0x0  }
0x8f: {  	[sflag:s4] =	ssyncadd.s32 $0xFFFFFE78  }
0x90: {  	[tilespmem:s7], [sflag:$0x1] =	stream.indirect.gather [hbm4b:s2+s6], $0x80, s3, s6, $0xb8;
	[tilespmem:$0xC600] =	vst v63  }
0x91: {  	_ =	swait.ge [sflag:s8], $0xC400  }
0x92: {  	[sflag:s8] =	ssyncset.done $0x0  }
0x93: {  	[sflag:s8] =	ssyncadd.s32 $0xFFFF3C00  }
0x94: {  	[hbm4b:s15+s3] =	stream.linear.scatter [tilespmem:s7], [sflag:$0x2], $0xC400, $0x38;
	[tilespmem:$0xC600] =	vst v63  }
0x95: {  	_ =	swait.ge [sflag:s4], $0xC400  }
0x96: {  	[sflag:s4] =	ssyncset.done $0x0  }
0x97: {  	[sflag:s4] =	ssyncadd.s32 $0xFFFF3C00  }
0x98: {  	[tilespmem:s3], [sflag:$0x2] =	stream.linear.gather [hbm4b:s16+s3], $0x188, $0x38;
	[tilespmem:$0xC600] =	vst v63  }
0x99: {  	_ =	swait.ge [sflag:s4], $0x188  }
0x9a: {  	[sflag:s4] =	ssyncset.done $0x0  }
0x9b: {  	[sflag:s4] =	ssyncadd.s32 $0xFFFFFE78  }
0x9c: {  	[tilespmem:s7], [sflag:$0x1] =	stream.indirect.gather [hbm4b:s2+s6], $0x80, s3, s6, $0xb8;
	[tilespmem:$0xC600] =	vst v63  }
0x9d: {  	_ =	swait.ge [sflag:s8], $0xC400  }
0x9e: {  	[sflag:s8] =	ssyncset.done $0x0  }
0x9f: {  	[sflag:s8] =	ssyncadd.s32 $0xFFFF3C00  }
0xa0: {  	[hbm4b:s17+s3] =	stream.linear.scatter [tilespmem:s7], [sflag:$0x2], $0xC400, $0x38;
	[tilespmem:$0xC600] =	vst v63  }
0xa1: {  	_ =	swait.ge [sflag:s4], $0xC400  }
0xa2: {  	[sflag:s4] =	ssyncset.done $0x0  }
0xa3: {  	[sflag:s4] =	ssyncadd.s32 $0xFFFF3C00  }
0xa4: {  	[tilespmem:s3], [sflag:$0x2] =	stream.linear.gather [hbm4b:s18+s3], $0x188, $0x38;
	[tilespmem:$0xC600] =	vst v63  }
0xa5: {  	_ =	swait.ge [sflag:s4], $0x188  }
0xa6: {  	[sflag:s4] =	ssyncset.done $0x0  }
0xa7: {  	[sflag:s4] =	ssyncadd.s32 $0xFFFFFE78  }
0xa8: {  	[tilespmem:s7], [sflag:$0x1] =	stream.indirect.gather [hbm4b:s2+s6], $0x80, s3, s6, $0xb8;
	[tilespmem:$0xC600] =	vst v63  }
0xa9: {  	_ =	swait.ge [sflag:s8], $0xC400  }
0xaa: {  	[sflag:s8] =	ssyncset.done $0x0  }
0xab: {  	[sflag:s8] =	ssyncadd.s32 $0xFFFF3C00  }
0xac: {  	[hbm4b:s19+s3] =	stream.linear.scatter [tilespmem:s7], [sflag:$0x2], $0xC400, $0x38;
	[tilespmem:$0xC600] =	vst v63  }
0xad: {  	_ =	swait.ge [sflag:s4], $0xC400  }
0xae: {  	[sflag:s4] =	ssyncset.done $0x0  }
0xaf: {  	[sflag:s4] =	ssyncadd.s32 $0xFFFF3C00  }
0xb0: {  	[tilespmem:s3], [sflag:$0x2] =	stream.linear.gather [hbm4b:s20+s3], $0x188, $0x38;
	[tilespmem:$0xC600] =	vst v63  }
0xb1: {  	_ =	swait.ge [sflag:s4], $0x188  }
0xb2: {  	[sflag:s4] =	ssyncset.done $0x0  }
0xb3: {  	[sflag:s4] =	ssyncadd.s32 $0xFFFFFE78  }
0xb4: {  	[tilespmem:s7], [sflag:$0x1] =	stream.indirect.gather [hbm4b:s2+s6], $0x80, s3, s6, $0xb8;
	[tilespmem:$0xC600] =	vst v63  }
0xb5: {  	_ =	swait.ge [sflag:s8], $0xC400  }
0xb6: {  	[sflag:s8] =	ssyncset.done $0x0  }
0xb7: {  	[sflag:s8] =	ssyncadd.s32 $0xFFFF3C00  }
0xb8: {  	[hbm4b:s21+s3] =	stream.linear.scatter [tilespmem:s7], [sflag:$0x2], $0xC400, $0x38;
	[tilespmem:$0xC600] =	vst v63  }
0xb9: {  	_ =	swait.ge [sflag:s4], $0xC400  }
0xba: {  	[sflag:s4] =	ssyncset.done $0x0  }
0xbb: {  	[sflag:s4] =	ssyncadd.s32 $0xFFFF3C00  }
0xbc: {  	[tilespmem:s3], [sflag:$0x2] =	stream.linear.gather [hbm4b:s22+s3], $0x188, $0x38;
	[tilespmem:$0xC600] =	vst v63  }
0xbd: {  	_ =	swait.ge [sflag:s4], $0x188  }
0xbe: {  	[sflag:s4] =	ssyncset.done $0x0  }
0xbf: {  	[sflag:s4] =	ssyncadd.s32 $0xFFFFFE78  }
0xc0: {  	[tilespmem:s7], [sflag:$0x1] =	stream.indirect.gather [hbm4b:s2+s6], $0x80, s3, s6, $0xb8;
	[tilespmem:$0xC600] =	vst v63  }
0xc1: {  	_ =	swait.ge [sflag:s8], $0xC400  }
.Ltmp1:
0xc2: {  	[sflag:s8] =	ssyncset.done $0x0;
	(pc) =	sbr.rel @p0 .LBB2_1-.Ltmp1, $4  }
0xc3: {  	[sflag:s8] =	ssyncadd.s32 $0xFFFF3C00  }
0xc4: {  	[hbm4b:s23+s3] =	stream.linear.scatter [tilespmem:s7], [sflag:$0x2], $0xC400, $0x38;
	[tilespmem:$0xC600] =	vst v63  }
0xc5: {  	_ =	swait.ge [sflag:s4], $0xC400  }
0xc6: {  	[sflag:s4] =	ssyncset.done $0x0  }
.LBB2_2:
0xc7: {  	[sflag:s4] =	ssyncadd.s32 $0xFFFF3C00  }
0xc8: {  	_ =	sfence.sel $0x180000  }
0xc9: {  	[bflag:$0x0] =	sbarrier.arrive $0xFFFF  }
0xca: {  	p0 =	sne.s32 s0, $0x0;
	_ =	strace $0x90000047  }
0xcb: {  	s0 =	sadd.s32 @!p0 $0x100000, s1;
	[bflag:$0x2] =	sbarrier.arrive $0xFFFF  }
0xcc: {  	[sflag:s0] =	ssyncadd.tile.s32 @!p0 $0x1;
	_ =	shalt  }
.Lfunc_end2:
_tile_overlayer_lowered:
.L_overlay_start_2:
0xcd: {  	(tag) =	ssettag $0x2  }
0xce: {  	s0 =	rddreg [dreg:$0x0];
	s2 =	stileid.u32  }
0xcf: {  	s1 =	rddreg [dreg:$0x1];
	p0 =	sne.s32 s2, $0x0  }
0xd0: {  	s3 =	rddreg [dreg:$0x2];
	[bflag:$0x3] =	sbarrier.arrive $0xFFFF;
	s2 =	simm.s32 @!p0 $0x1C02  }
0xd1: {  	[timem:s3], [sflag:s2] =	dma.local @!p0 [hbm:s0], s1  }
0xd2: {  	s0 =	simm.s32 @!p0 $0x2  }
0xd3: {  	_ =	swait.ge @!p0 [sflag:s0], s1  }
0xd4: {  	s1 =	ssub.s32 @!p0 $0x0, s1;
	[sflag:s0] =	ssyncset.done @!p0 $0x0  }
0xd5: {  	[sflag:s0] =	ssyncadd.s32 @!p0 s1  }
0xd6: {  	[bflag:$0x3] =	sbarrier.arrive $0xFFFF  }
0xd7: {  	_ =	shalt  }

</sc_bundles>
